<compile_context>
chip_gen: v7x
topology: tpu7x:2x2x1
jax: 0.10.2.dev20260603
libtpu: 0.0.44.dev20260713+nightly
codegen_flags: <defaults>
</compile_context>

<pallas_src>
import functools

import jax
import jax.numpy as jnp
from jax import lax
from jax.experimental import pallas as pl
from jax.experimental.pallas import tpu as pltpu
from jax.experimental.pallas import tpu_sc as plsc

VOCAB = 1_000_000
D = 64
B_TOKENS = 4096
SEQ = 200
B = B_TOKENS * SEQ

NC = 2
NS = 16
NW = NC * NS
B_PER_W = B // NW
BLK = 128
NBLK = B_PER_W // BLK

NBUF = 8
AHEAD = 4


def _body(idx_hbm, table_hbm, out_hbm, idx_v, rows_v, *sems):
    wid = lax.axis_index("s") * NC + lax.axis_index("c")
    base = wid * B_PER_W

    pltpu.sync_copy(idx_hbm.at[wid], idx_v)

    gsems = sems[:NBUF]
    osems = sems[NBUF:]

    def gather(j, b):
        return pltpu.make_async_copy(
            table_hbm.at[idx_v.at[j]], rows_v.at[b], gsems[b])

    def writeback(j, b):
        return pltpu.make_async_copy(
            rows_v.at[b], out_hbm.at[pl.ds(base + j * BLK, BLK)], osems[b])

    for g in range(AHEAD):
        gather(g, g).start()

    @pl.loop(0, NBLK // NBUF)
    def _(s):
        for b in range(NBUF):
            j = s * NBUF + b
            gather(j, b).wait()
            writeback(j, b).start()

            @pl.when(j >= AHEAD)
            def _():
                writeback(j - AHEAD, (b - AHEAD) % NBUF).wait()

            @pl.when(j + AHEAD < NBLK)
            def _():
                gather(j + AHEAD, (b + AHEAD) % NBUF).start()

    for j in range(NBLK - AHEAD, NBLK):
        writeback(j, j % NBUF).wait()


@functools.cache
def _build():
    return pl.kernel(
        _body,
        out_type=jax.ShapeDtypeStruct((B, D), jnp.float32),
        mesh=plsc.VectorSubcoreMesh(
            core_axis_name="c", subcore_axis_name="s",
            num_cores=NC, num_subcores=NS),
        compiler_params=pltpu.CompilerParams(use_tc_tiling_on_sc=False),
        scratch_types=[
            pltpu.VMEM((NBLK, BLK), jnp.int32),
            pltpu.VMEM((NBUF, BLK, D), jnp.float32),
        ] + [pltpu.SemaphoreType.DMA] * (2 * NBUF),
    )


def kernel(token_ids, weight):
    idx = token_ids.reshape(NW, NBLK, BLK).astype(jnp.int32)
    out = _build()(idx, weight)
    return out.reshape(B_TOKENS, SEQ, D)

# --- scband reference (transcript-rebuilt; emitter-appended) ---
"""Pipeline reference for scband-embedding-15925738733742 (READ-ONLY COPY).

The authoritative reference and input builder live on the scoring server;
editing this copy changes nothing except your own understanding.
"""

import jax, jax.numpy as jnp
import numpy as np

VOCAB_SIZE = 1000000
D_MODEL = 64

def setup_inputs(seed: int = 0) -> dict:
    key = jax.random.key(seed)
    k1, k2 = jax.random.split(key)
    token_ids = jax.random.randint(k1, (4096, 200), 0, VOCAB_SIZE, dtype=jnp.int64 if jax.config.jax_enable_x64 else jnp.int32)
    # truncated normal init, std=1.0, a=-3, b=3 (matches nn.init.trunc_normal_)
    weight = jax.random.truncated_normal(k2, -3.0, 3.0, (VOCAB_SIZE, D_MODEL), dtype=jnp.float32)
    return {"token_ids": token_ids, "weight": weight}

def reference(token_ids, weight):
    # Embedding lookup: weight[token_ids, :]
    return jnp.take(weight, token_ids, axis=0)

if __name__ == "__main__":
    import jax
    _d = setup_inputs()
    print(jax.jit(kernel)(*tuple(_d.values())))

</pallas_src>

<mosaic_0001>
#map = affine_map<(d0, d1) -> (0, 0, 0)>
#map1 = affine_map<(d0, d1) -> (0, 0)>
module attributes {stable_mosaic.version = 14 : i64} {
  func.func @_body(%arg0: i32, %arg1: i32, %arg2: memref<32x200x128xi32, #tpu.memory_space<hbm>>, %arg3: memref<1000000x64xf32, #tpu.memory_space<hbm>>, %arg4: memref<819200x64xf32, #tpu.memory_space<hbm>>, %arg5: memref<200x128xi32, #tpu.memory_space<vmem>>, %arg6: memref<8x128x64xf32, #tpu.memory_space<vmem>>, %arg7: memref<!tpu.dma_semaphore, #tpu.memory_space<semaphore_mem>>, %arg8: memref<!tpu.dma_semaphore, #tpu.memory_space<semaphore_mem>>, %arg9: memref<!tpu.dma_semaphore, #tpu.memory_space<semaphore_mem>>, %arg10: memref<!tpu.dma_semaphore, #tpu.memory_space<semaphore_mem>>, %arg11: memref<!tpu.dma_semaphore, #tpu.memory_space<semaphore_mem>>, %arg12: memref<!tpu.dma_semaphore, #tpu.memory_space<semaphore_mem>>, %arg13: memref<!tpu.dma_semaphore, #tpu.memory_space<semaphore_mem>>, %arg14: memref<!tpu.dma_semaphore, #tpu.memory_space<semaphore_mem>>, %arg15: memref<!tpu.dma_semaphore, #tpu.memory_space<semaphore_mem>>, %arg16: memref<!tpu.dma_semaphore, #tpu.memory_space<semaphore_mem>>, %arg17: memref<!tpu.dma_semaphore, #tpu.memory_space<semaphore_mem>>, %arg18: memref<!tpu.dma_semaphore, #tpu.memory_space<semaphore_mem>>, %arg19: memref<!tpu.dma_semaphore, #tpu.memory_space<semaphore_mem>>, %arg20: memref<!tpu.dma_semaphore, #tpu.memory_space<semaphore_mem>>, %arg21: memref<!tpu.dma_semaphore, #tpu.memory_space<semaphore_mem>>, %arg22: memref<!tpu.dma_semaphore, #tpu.memory_space<semaphore_mem>>) attributes {dimension_semantics = [#tpu.dimension_semantics<core_parallel>, #tpu.dimension_semantics<subcore_parallel>], iteration_bounds = array<i64: 2, 16>, scalar_prefetch = 0 : i64, scratch_operands = 18 : i64, tpu.core_type = #tpu.core_type<sc_vector_subcore>, window_params = [{transform_indices = #map}, {transform_indices = #map1}, {transform_indices = #map1}]} {
    %mul3A = arith.constant 2 : i32
    %mul3A_0 = arith.muli %arg1, %mul3A : i32
    %add3A = arith.addi %mul3A_0, %arg0 : i32
    %mul3A_1 = arith.constant 25600 : i32
    %mul3A_2 = arith.muli %add3A, %mul3A_1 : i32
    "tpu.region"() ({
      %run_scoped3A = tpu.sem_alloc : memref<!tpu.dma_semaphore, #tpu.memory_space<semaphore_mem>>
      %dma_start3A_113 = arith.constant 0 : i32
      %dma_start3A_114 = arith.constant 0 : i32
      %dma_start3A_115 = tpu.memref_slice %arg2[%add3A, %dma_start3A_113, %dma_start3A_114] : memref<32x200x128xi32, #tpu.memory_space<hbm>> -> memref<1x200x128xi32, #tpu.memory_space<hbm>>
      %dma_start3A_116 = tpu.memref_squeeze %dma_start3A_115 : memref<1x200x128xi32, #tpu.memory_space<hbm>> -> memref<200x128xi32, #tpu.memory_space<hbm>>
      %dma_start3A_117 = arith.constant 0 : i32
      %dma_start3A_118 = arith.constant 0 : i32
      %dma_start3A_119 = tpu.memref_slice %arg2[%add3A, %dma_start3A_117, %dma_start3A_118] : memref<32x200x128xi32, #tpu.memory_space<hbm>> -> memref<1x200x128xi32, #tpu.memory_space<hbm>>
      %dma_start3A_120 = tpu.memref_squeeze %dma_start3A_119 : memref<1x200x128xi32, #tpu.memory_space<hbm>> -> memref<200x128xi32, #tpu.memory_space<hbm>>
      tpu.enqueue_dma source(%dma_start3A_120 : memref<200x128xi32, #tpu.memory_space<hbm>>) target(%arg5 : memref<200x128xi32, #tpu.memory_space<vmem>>) target_semaphore(%run_scoped3A : memref<!tpu.dma_semaphore, #tpu.memory_space<semaphore_mem>>)
      %dma_wait3A_121 = arith.constant 0 : i32
      %dma_wait3A_122 = arith.constant 0 : i32
      %dma_wait3A_123 = tpu.memref_slice %arg2[%add3A, %dma_wait3A_121, %dma_wait3A_122] : memref<32x200x128xi32, #tpu.memory_space<hbm>> -> memref<1x200x128xi32, #tpu.memory_space<hbm>>
      %dma_wait3A_124 = tpu.memref_squeeze %dma_wait3A_123 : memref<1x200x128xi32, #tpu.memory_space<hbm>> -> memref<200x128xi32, #tpu.memory_space<hbm>>
      %dma_wait3A_125 = arith.constant 0 : i32
      %dma_wait3A_126 = arith.constant 0 : i32
      %dma_wait3A_127 = tpu.memref_slice %arg2[%add3A, %dma_wait3A_125, %dma_wait3A_126] : memref<32x200x128xi32, #tpu.memory_space<hbm>> -> memref<1x200x128xi32, #tpu.memory_space<hbm>>
      %dma_wait3A_128 = tpu.memref_squeeze %dma_wait3A_127 : memref<1x200x128xi32, #tpu.memory_space<hbm>> -> memref<200x128xi32, #tpu.memory_space<hbm>>
      tpu.wait_dma2 semaphore(%run_scoped3A : memref<!tpu.dma_semaphore, #tpu.memory_space<semaphore_mem>>) src(%dma_wait3A_128 : memref<200x128xi32, #tpu.memory_space<hbm>>) dst(%arg5 : memref<200x128xi32, #tpu.memory_space<vmem>>)
      tpu.yield
    }) : () -> ()
    %dma_start3A = arith.constant 0 : i32
    %dma_start3A_3 = arith.constant 0 : i32
    %dma_start3A_4 = arith.constant 0 : i32
    %dma_start3A_5 = arith.constant 0 : i32
    %dma_start3A_6 = tpu.memref_slice %arg6[%dma_start3A_3, %dma_start3A_4, %dma_start3A_5] : memref<8x128x64xf32, #tpu.memory_space<vmem>> -> memref<1x128x64xf32, #tpu.memory_space<vmem>>
    %dma_start3A_7 = tpu.memref_squeeze %dma_start3A_6 : memref<1x128x64xf32, #tpu.memory_space<vmem>> -> memref<128x64xf32, #tpu.memory_space<vmem>>
    %dma_start3A_8 = arith.constant 0 : i32
    %dma_start3A_9 = tpu.memref_slice %arg5[%dma_start3A, %dma_start3A_8] : memref<200x128xi32, #tpu.memory_space<vmem>> -> memref<1x128xi32, #tpu.memory_space<vmem>>
    %dma_start3A_10 = tpu.memref_squeeze %dma_start3A_9 : memref<1x128xi32, #tpu.memory_space<vmem>> -> memref<128xi32, #tpu.memory_space<vmem>>
    %dma_start3A_11 = arith.constant 0 : i32
    %dma_start3A_12 = arith.constant 0 : i32
    %dma_start3A_13 = tpu.memref_slice %arg3[%dma_start3A_11, %dma_start3A_12] : memref<1000000x64xf32, #tpu.memory_space<hbm>> -> memref<1000000x64xf32, #tpu.memory_space<hbm>>
    tpu.enqueue_indirect_dma source(%dma_start3A_13 : memref<1000000x64xf32, #tpu.memory_space<hbm>>) target(%dma_start3A_7 : memref<128x64xf32, #tpu.memory_space<vmem>>) offsets(%dma_start3A_10 : memref<128xi32, #tpu.memory_space<vmem>>) semaphore(%arg7 : memref<!tpu.dma_semaphore, #tpu.memory_space<semaphore_mem>>)
    %dma_start3A_14 = arith.constant 1 : i32
    %dma_start3A_15 = arith.constant 1 : i32
    %dma_start3A_16 = arith.constant 0 : i32
    %dma_start3A_17 = arith.constant 0 : i32
    %dma_start3A_18 = tpu.memref_slice %arg6[%dma_start3A_15, %dma_start3A_16, %dma_start3A_17] : memref<8x128x64xf32, #tpu.memory_space<vmem>> -> memref<1x128x64xf32, #tpu.memory_space<vmem>>
    %dma_start3A_19 = tpu.memref_squeeze %dma_start3A_18 : memref<1x128x64xf32, #tpu.memory_space<vmem>> -> memref<128x64xf32, #tpu.memory_space<vmem>>
    %dma_start3A_20 = arith.constant 0 : i32
    %dma_start3A_21 = tpu.memref_slice %arg5[%dma_start3A_14, %dma_start3A_20] : memref<200x128xi32, #tpu.memory_space<vmem>> -> memref<1x128xi32, #tpu.memory_space<vmem>>
    %dma_start3A_22 = tpu.memref_squeeze %dma_start3A_21 : memref<1x128xi32, #tpu.memory_space<vmem>> -> memref<128xi32, #tpu.memory_space<vmem>>
    %dma_start3A_23 = arith.constant 0 : i32
    %dma_start3A_24 = arith.constant 0 : i32
    %dma_start3A_25 = tpu.memref_slice %arg3[%dma_start3A_23, %dma_start3A_24] : memref<1000000x64xf32, #tpu.memory_space<hbm>> -> memref<1000000x64xf32, #tpu.memory_space<hbm>>
    tpu.enqueue_indirect_dma source(%dma_start3A_25 : memref<1000000x64xf32, #tpu.memory_space<hbm>>) target(%dma_start3A_19 : memref<128x64xf32, #tpu.memory_space<vmem>>) offsets(%dma_start3A_22 : memref<128xi32, #tpu.memory_space<vmem>>) semaphore(%arg8 : memref<!tpu.dma_semaphore, #tpu.memory_space<semaphore_mem>>)
    %dma_start3A_26 = arith.constant 2 : i32
    %dma_start3A_27 = arith.constant 2 : i32
    %dma_start3A_28 = arith.constant 0 : i32
    %dma_start3A_29 = arith.constant 0 : i32
    %dma_start3A_30 = tpu.memref_slice %arg6[%dma_start3A_27, %dma_start3A_28, %dma_start3A_29] : memref<8x128x64xf32, #tpu.memory_space<vmem>> -> memref<1x128x64xf32, #tpu.memory_space<vmem>>
    %dma_start3A_31 = tpu.memref_squeeze %dma_start3A_30 : memref<1x128x64xf32, #tpu.memory_space<vmem>> -> memref<128x64xf32, #tpu.memory_space<vmem>>
    %dma_start3A_32 = arith.constant 0 : i32
    %dma_start3A_33 = tpu.memref_slice %arg5[%dma_start3A_26, %dma_start3A_32] : memref<200x128xi32, #tpu.memory_space<vmem>> -> memref<1x128xi32, #tpu.memory_space<vmem>>
    %dma_start3A_34 = tpu.memref_squeeze %dma_start3A_33 : memref<1x128xi32, #tpu.memory_space<vmem>> -> memref<128xi32, #tpu.memory_space<vmem>>
    %dma_start3A_35 = arith.constant 0 : i32
    %dma_start3A_36 = arith.constant 0 : i32
    %dma_start3A_37 = tpu.memref_slice %arg3[%dma_start3A_35, %dma_start3A_36] : memref<1000000x64xf32, #tpu.memory_space<hbm>> -> memref<1000000x64xf32, #tpu.memory_space<hbm>>
    tpu.enqueue_indirect_dma source(%dma_start3A_37 : memref<1000000x64xf32, #tpu.memory_space<hbm>>) target(%dma_start3A_31 : memref<128x64xf32, #tpu.memory_space<vmem>>) offsets(%dma_start3A_34 : memref<128xi32, #tpu.memory_space<vmem>>) semaphore(%arg9 : memref<!tpu.dma_semaphore, #tpu.memory_space<semaphore_mem>>)
    %dma_start3A_38 = arith.constant 3 : i32
    %dma_start3A_39 = arith.constant 3 : i32
    %dma_start3A_40 = arith.constant 0 : i32
    %dma_start3A_41 = arith.constant 0 : i32
    %dma_start3A_42 = tpu.memref_slice %arg6[%dma_start3A_39, %dma_start3A_40, %dma_start3A_41] : memref<8x128x64xf32, #tpu.memory_space<vmem>> -> memref<1x128x64xf32, #tpu.memory_space<vmem>>
    %dma_start3A_43 = tpu.memref_squeeze %dma_start3A_42 : memref<1x128x64xf32, #tpu.memory_space<vmem>> -> memref<128x64xf32, #tpu.memory_space<vmem>>
    %dma_start3A_44 = arith.constant 0 : i32
    %dma_start3A_45 = tpu.memref_slice %arg5[%dma_start3A_38, %dma_start3A_44] : memref<200x128xi32, #tpu.memory_space<vmem>> -> memref<1x128xi32, #tpu.memory_space<vmem>>
    %dma_start3A_46 = tpu.memref_squeeze %dma_start3A_45 : memref<1x128xi32, #tpu.memory_space<vmem>> -> memref<128xi32, #tpu.memory_space<vmem>>
    %dma_start3A_47 = arith.constant 0 : i32
    %dma_start3A_48 = arith.constant 0 : i32
    %dma_start3A_49 = tpu.memref_slice %arg3[%dma_start3A_47, %dma_start3A_48] : memref<1000000x64xf32, #tpu.memory_space<hbm>> -> memref<1000000x64xf32, #tpu.memory_space<hbm>>
    tpu.enqueue_indirect_dma source(%dma_start3A_49 : memref<1000000x64xf32, #tpu.memory_space<hbm>>) target(%dma_start3A_43 : memref<128x64xf32, #tpu.memory_space<vmem>>) offsets(%dma_start3A_46 : memref<128xi32, #tpu.memory_space<vmem>>) semaphore(%arg10 : memref<!tpu.dma_semaphore, #tpu.memory_space<semaphore_mem>>)
    %scan3A = arith.constant 0 : i32
    %scan3A_50 = arith.constant 25 : i32
    %scan3A_51 = arith.addi %scan3A, %scan3A_50 : i32
    %scan3A_52 = arith.constant 1 : i32
    scf.for %scan3A_113 = %scan3A to %scan3A_51 step %scan3A_52  : i32 {
      %mul3A_114 = arith.constant 1 : i32
      %mul3A_115 = arith.muli %scan3A_113, %mul3A_114 : i32
      %add3A_116 = arith.constant 0 : i32
      %add3A_117 = arith.addi %add3A_116, %mul3A_115 : i32
      %mul3A_118 = arith.constant 8 : i32
      %mul3A_119 = arith.muli %add3A_117, %mul3A_118 : i32
      %add3A_120 = arith.constant 0 : i32
      %add3A_121 = arith.addi %mul3A_119, %add3A_120 : i32
      %dma_wait3A_122 = arith.constant 0 : i32
      %dma_wait3A_123 = arith.constant 0 : i32
      %dma_wait3A_124 = arith.constant 0 : i32
      %dma_wait3A_125 = tpu.memref_slice %arg6[%dma_wait3A_122, %dma_wait3A_123, %dma_wait3A_124] : memref<8x128x64xf32, #tpu.memory_space<vmem>> -> memref<1x128x64xf32, #tpu.memory_space<vmem>>
      %dma_wait3A_126 = tpu.memref_squeeze %dma_wait3A_125 : memref<1x128x64xf32, #tpu.memory_space<vmem>> -> memref<128x64xf32, #tpu.memory_space<vmem>>
      %dma_wait3A_127 = arith.constant 0 : i32
      %dma_wait3A_128 = tpu.memref_slice %arg5[%add3A_121, %dma_wait3A_127] : memref<200x128xi32, #tpu.memory_space<vmem>> -> memref<1x128xi32, #tpu.memory_space<vmem>>
      %dma_wait3A_129 = tpu.memref_squeeze %dma_wait3A_128 : memref<1x128xi32, #tpu.memory_space<vmem>> -> memref<128xi32, #tpu.memory_space<vmem>>
      %dma_wait3A_130 = arith.constant 0 : i32
      %dma_wait3A_131 = arith.constant 0 : i32
      %dma_wait3A_132 = tpu.memref_slice %arg3[%dma_wait3A_130, %dma_wait3A_131] : memref<1000000x64xf32, #tpu.memory_space<hbm>> -> memref<1000000x64xf32, #tpu.memory_space<hbm>>
      tpu.wait_indirect_dma semaphore(%arg7 : memref<!tpu.dma_semaphore, #tpu.memory_space<semaphore_mem>>) src(%dma_wait3A_132 : memref<1000000x64xf32, #tpu.memory_space<hbm>>) dst(%dma_wait3A_126 : memref<128x64xf32, #tpu.memory_space<vmem>>)
      %mul3A_133 = arith.constant 128 : i32
      %mul3A_134 = arith.muli %add3A_121, %mul3A_133 : i32
      %add3A_135 = arith.addi %mul3A_2, %mul3A_134 : i32
      %dma_start3A_136 = arith.constant 0 : i32
      %dma_start3A_137 = arith.constant 0 : i32
      %dma_start3A_138 = arith.constant 0 : i32
      %dma_start3A_139 = tpu.memref_slice %arg6[%dma_start3A_136, %dma_start3A_137, %dma_start3A_138] : memref<8x128x64xf32, #tpu.memory_space<vmem>> -> memref<1x128x64xf32, #tpu.memory_space<vmem>>
      %dma_start3A_140 = tpu.memref_squeeze %dma_start3A_139 : memref<1x128x64xf32, #tpu.memory_space<vmem>> -> memref<128x64xf32, #tpu.memory_space<vmem>>
      %dma_start3A_141 = arith.constant 0 : i32
      %dma_start3A_142 = tpu.memref_slice %arg4[%add3A_135, %dma_start3A_141] : memref<819200x64xf32, #tpu.memory_space<hbm>> -> memref<128x64xf32, #tpu.memory_space<hbm>>
      %dma_start3A_143 = arith.constant 0 : i32
      %dma_start3A_144 = tpu.memref_slice %arg4[%add3A_135, %dma_start3A_143] : memref<819200x64xf32, #tpu.memory_space<hbm>> -> memref<128x64xf32, #tpu.memory_space<hbm>>
      %dma_start3A_145 = arith.constant 0 : i32
      %dma_start3A_146 = arith.constant 0 : i32
      %dma_start3A_147 = tpu.memref_slice %arg6[%dma_start3A_136, %dma_start3A_145, %dma_start3A_146] : memref<8x128x64xf32, #tpu.memory_space<vmem>> -> memref<1x128x64xf32, #tpu.memory_space<vmem>>
      %dma_start3A_148 = tpu.memref_squeeze %dma_start3A_147 : memref<1x128x64xf32, #tpu.memory_space<vmem>> -> memref<128x64xf32, #tpu.memory_space<vmem>>
      tpu.enqueue_dma source(%dma_start3A_148 : memref<128x64xf32, #tpu.memory_space<vmem>>) target(%dma_start3A_144 : memref<128x64xf32, #tpu.memory_space<hbm>>) target_semaphore(%arg15 : memref<!tpu.dma_semaphore, #tpu.memory_space<semaphore_mem>>)
      %ge3A = arith.constant 4 : i32
      %ge3A_149 = arith.cmpi sge, %add3A_121, %ge3A : i32
      %convert_element_type3A = arith.extui %ge3A_149 : i1 to i32
      %cond3A = arith.constant 0 : i32
      %cond3A_150 = arith.cmpi ne, %convert_element_type3A, %cond3A : i32
      scf.if %cond3A_150 {
        %sub3A = arith.constant 4 : i32
        %sub3A_458 = arith.subi %add3A_121, %sub3A : i32
        %mul3A_459 = arith.constant 128 : i32
        %mul3A_460 = arith.muli %sub3A_458, %mul3A_459 : i32
        %add3A_461 = arith.addi %mul3A_2, %mul3A_460 : i32
        %dma_wait3A_462 = arith.constant 4 : i32
        %dma_wait3A_463 = arith.constant 0 : i32
        %dma_wait3A_464 = arith.constant 0 : i32
        %dma_wait3A_465 = tpu.memref_slice %arg6[%dma_wait3A_462, %dma_wait3A_463, %dma_wait3A_464] : memref<8x128x64xf32, #tpu.memory_space<vmem>> -> memref<1x128x64xf32, #tpu.memory_space<vmem>>
        %dma_wait3A_466 = tpu.memref_squeeze %dma_wait3A_465 : memref<1x128x64xf32, #tpu.memory_space<vmem>> -> memref<128x64xf32, #tpu.memory_space<vmem>>
        %dma_wait3A_467 = arith.constant 0 : i32
        %dma_wait3A_468 = tpu.memref_slice %arg4[%add3A_461, %dma_wait3A_467] : memref<819200x64xf32, #tpu.memory_space<hbm>> -> memref<128x64xf32, #tpu.memory_space<hbm>>
        %dma_wait3A_469 = arith.constant 0 : i32
        %dma_wait3A_470 = tpu.memref_slice %arg4[%add3A_461, %dma_wait3A_469] : memref<819200x64xf32, #tpu.memory_space<hbm>> -> memref<128x64xf32, #tpu.memory_space<hbm>>
        %dma_wait3A_471 = arith.constant 0 : i32
        %dma_wait3A_472 = arith.constant 0 : i32
        %dma_wait3A_473 = tpu.memref_slice %arg6[%dma_wait3A_462, %dma_wait3A_471, %dma_wait3A_472] : memref<8x128x64xf32, #tpu.memory_space<vmem>> -> memref<1x128x64xf32, #tpu.memory_space<vmem>>
        %dma_wait3A_474 = tpu.memref_squeeze %dma_wait3A_473 : memref<1x128x64xf32, #tpu.memory_space<vmem>> -> memref<128x64xf32, #tpu.memory_space<vmem>>
        tpu.wait_dma2 semaphore(%arg19 : memref<!tpu.dma_semaphore, #tpu.memory_space<semaphore_mem>>) src(%dma_wait3A_474 : memref<128x64xf32, #tpu.memory_space<vmem>>) dst(%dma_wait3A_470 : memref<128x64xf32, #tpu.memory_space<hbm>>)
      } else {
      }
      %add3A_151 = arith.constant 4 : i32
      %add3A_152 = arith.addi %add3A_121, %add3A_151 : i32
      %lt3A = arith.constant 200 : i32
      %lt3A_153 = arith.cmpi slt, %add3A_152, %lt3A : i32
      %convert_element_type3A_154 = arith.extui %lt3A_153 : i1 to i32
      %cond3A_155 = arith.constant 0 : i32
      %cond3A_156 = arith.cmpi ne, %convert_element_type3A_154, %cond3A_155 : i32
      scf.if %cond3A_156 {
        %add3A_458 = arith.constant 4 : i32
        %add3A_459 = arith.addi %add3A_121, %add3A_458 : i32
        %dma_start3A_460 = arith.constant 4 : i32
        %dma_start3A_461 = arith.constant 0 : i32
        %dma_start3A_462 = arith.constant 0 : i32
        %dma_start3A_463 = tpu.memref_slice %arg6[%dma_start3A_460, %dma_start3A_461, %dma_start3A_462] : memref<8x128x64xf32, #tpu.memory_space<vmem>> -> memref<1x128x64xf32, #tpu.memory_space<vmem>>
        %dma_start3A_464 = tpu.memref_squeeze %dma_start3A_463 : memref<1x128x64xf32, #tpu.memory_space<vmem>> -> memref<128x64xf32, #tpu.memory_space<vmem>>
        %dma_start3A_465 = arith.constant 0 : i32
        %dma_start3A_466 = tpu.memref_slice %arg5[%add3A_459, %dma_start3A_465] : memref<200x128xi32, #tpu.memory_space<vmem>> -> memref<1x128xi32, #tpu.memory_space<vmem>>
        %dma_start3A_467 = tpu.memref_squeeze %dma_start3A_466 : memref<1x128xi32, #tpu.memory_space<vmem>> -> memref<128xi32, #tpu.memory_space<vmem>>
        %dma_start3A_468 = arith.constant 0 : i32
        %dma_start3A_469 = arith.constant 0 : i32
        %dma_start3A_470 = tpu.memref_slice %arg3[%dma_start3A_468, %dma_start3A_469] : memref<1000000x64xf32, #tpu.memory_space<hbm>> -> memref<1000000x64xf32, #tpu.memory_space<hbm>>
        tpu.enqueue_indirect_dma source(%dma_start3A_470 : memref<1000000x64xf32, #tpu.memory_space<hbm>>) target(%dma_start3A_464 : memref<128x64xf32, #tpu.memory_space<vmem>>) offsets(%dma_start3A_467 : memref<128xi32, #tpu.memory_space<vmem>>) semaphore(%arg11 : memref<!tpu.dma_semaphore, #tpu.memory_space<semaphore_mem>>)
      } else {
      }
      %mul3A_157 = arith.constant 8 : i32
      %mul3A_158 = arith.muli %add3A_117, %mul3A_157 : i32
      %add3A_159 = arith.constant 1 : i32
      %add3A_160 = arith.addi %mul3A_158, %add3A_159 : i32
      %dma_wait3A_161 = arith.constant 1 : i32
      %dma_wait3A_162 = arith.constant 0 : i32
      %dma_wait3A_163 = arith.constant 0 : i32
      %dma_wait3A_164 = tpu.memref_slice %arg6[%dma_wait3A_161, %dma_wait3A_162, %dma_wait3A_163] : memref<8x128x64xf32, #tpu.memory_space<vmem>> -> memref<1x128x64xf32, #tpu.memory_space<vmem>>
      %dma_wait3A_165 = tpu.memref_squeeze %dma_wait3A_164 : memref<1x128x64xf32, #tpu.memory_space<vmem>> -> memref<128x64xf32, #tpu.memory_space<vmem>>
      %dma_wait3A_166 = arith.constant 0 : i32
      %dma_wait3A_167 = tpu.memref_slice %arg5[%add3A_160, %dma_wait3A_166] : memref<200x128xi32, #tpu.memory_space<vmem>> -> memref<1x128xi32, #tpu.memory_space<vmem>>
      %dma_wait3A_168 = tpu.memref_squeeze %dma_wait3A_167 : memref<1x128xi32, #tpu.memory_space<vmem>> -> memref<128xi32, #tpu.memory_space<vmem>>
      %dma_wait3A_169 = arith.constant 0 : i32
      %dma_wait3A_170 = arith.constant 0 : i32
      %dma_wait3A_171 = tpu.memref_slice %arg3[%dma_wait3A_169, %dma_wait3A_170] : memref<1000000x64xf32, #tpu.memory_space<hbm>> -> memref<1000000x64xf32, #tpu.memory_space<hbm>>
      tpu.wait_indirect_dma semaphore(%arg8 : memref<!tpu.dma_semaphore, #tpu.memory_space<semaphore_mem>>) src(%dma_wait3A_171 : memref<1000000x64xf32, #tpu.memory_space<hbm>>) dst(%dma_wait3A_165 : memref<128x64xf32, #tpu.memory_space<vmem>>)
      %mul3A_172 = arith.constant 128 : i32
      %mul3A_173 = arith.muli %add3A_160, %mul3A_172 : i32
      %add3A_174 = arith.addi %mul3A_2, %mul3A_173 : i32
      %dma_start3A_175 = arith.constant 1 : i32
      %dma_start3A_176 = arith.constant 0 : i32
      %dma_start3A_177 = arith.constant 0 : i32
      %dma_start3A_178 = tpu.memref_slice %arg6[%dma_start3A_175, %dma_start3A_176, %dma_start3A_177] : memref<8x128x64xf32, #tpu.memory_space<vmem>> -> memref<1x128x64xf32, #tpu.memory_space<vmem>>
      %dma_start3A_179 = tpu.memref_squeeze %dma_start3A_178 : memref<1x128x64xf32, #tpu.memory_space<vmem>> -> memref<128x64xf32, #tpu.memory_space<vmem>>
      %dma_start3A_180 = arith.constant 0 : i32
      %dma_start3A_181 = tpu.memref_slice %arg4[%add3A_174, %dma_start3A_180] : memref<819200x64xf32, #tpu.memory_space<hbm>> -> memref<128x64xf32, #tpu.memory_space<hbm>>
      %dma_start3A_182 = arith.constant 0 : i32
      %dma_start3A_183 = tpu.memref_slice %arg4[%add3A_174, %dma_start3A_182] : memref<819200x64xf32, #tpu.memory_space<hbm>> -> memref<128x64xf32, #tpu.memory_space<hbm>>
      %dma_start3A_184 = arith.constant 0 : i32
      %dma_start3A_185 = arith.constant 0 : i32
      %dma_start3A_186 = tpu.memref_slice %arg6[%dma_start3A_175, %dma_start3A_184, %dma_start3A_185] : memref<8x128x64xf32, #tpu.memory_space<vmem>> -> memref<1x128x64xf32, #tpu.memory_space<vmem>>
      %dma_start3A_187 = tpu.memref_squeeze %dma_start3A_186 : memref<1x128x64xf32, #tpu.memory_space<vmem>> -> memref<128x64xf32, #tpu.memory_space<vmem>>
      tpu.enqueue_dma source(%dma_start3A_187 : memref<128x64xf32, #tpu.memory_space<vmem>>) target(%dma_start3A_183 : memref<128x64xf32, #tpu.memory_space<hbm>>) target_semaphore(%arg16 : memref<!tpu.dma_semaphore, #tpu.memory_space<semaphore_mem>>)
      %ge3A_188 = arith.constant 4 : i32
      %ge3A_189 = arith.cmpi sge, %add3A_160, %ge3A_188 : i32
      %convert_element_type3A_190 = arith.extui %ge3A_189 : i1 to i32
      %cond3A_191 = arith.constant 0 : i32
      %cond3A_192 = arith.cmpi ne, %convert_element_type3A_190, %cond3A_191 : i32
      scf.if %cond3A_192 {
        %sub3A = arith.constant 4 : i32
        %sub3A_458 = arith.subi %add3A_160, %sub3A : i32
        %mul3A_459 = arith.constant 128 : i32
        %mul3A_460 = arith.muli %sub3A_458, %mul3A_459 : i32
        %add3A_461 = arith.addi %mul3A_2, %mul3A_460 : i32
        %dma_wait3A_462 = arith.constant 5 : i32
        %dma_wait3A_463 = arith.constant 0 : i32
        %dma_wait3A_464 = arith.constant 0 : i32
        %dma_wait3A_465 = tpu.memref_slice %arg6[%dma_wait3A_462, %dma_wait3A_463, %dma_wait3A_464] : memref<8x128x64xf32, #tpu.memory_space<vmem>> -> memref<1x128x64xf32, #tpu.memory_space<vmem>>
        %dma_wait3A_466 = tpu.memref_squeeze %dma_wait3A_465 : memref<1x128x64xf32, #tpu.memory_space<vmem>> -> memref<128x64xf32, #tpu.memory_space<vmem>>
        %dma_wait3A_467 = arith.constant 0 : i32
        %dma_wait3A_468 = tpu.memref_slice %arg4[%add3A_461, %dma_wait3A_467] : memref<819200x64xf32, #tpu.memory_space<hbm>> -> memref<128x64xf32, #tpu.memory_space<hbm>>
        %dma_wait3A_469 = arith.constant 0 : i32
        %dma_wait3A_470 = tpu.memref_slice %arg4[%add3A_461, %dma_wait3A_469] : memref<819200x64xf32, #tpu.memory_space<hbm>> -> memref<128x64xf32, #tpu.memory_space<hbm>>
        %dma_wait3A_471 = arith.constant 0 : i32
        %dma_wait3A_472 = arith.constant 0 : i32
        %dma_wait3A_473 = tpu.memref_slice %arg6[%dma_wait3A_462, %dma_wait3A_471, %dma_wait3A_472] : memref<8x128x64xf32, #tpu.memory_space<vmem>> -> memref<1x128x64xf32, #tpu.memory_space<vmem>>
        %dma_wait3A_474 = tpu.memref_squeeze %dma_wait3A_473 : memref<1x128x64xf32, #tpu.memory_space<vmem>> -> memref<128x64xf32, #tpu.memory_space<vmem>>
        tpu.wait_dma2 semaphore(%arg20 : memref<!tpu.dma_semaphore, #tpu.memory_space<semaphore_mem>>) src(%dma_wait3A_474 : memref<128x64xf32, #tpu.memory_space<vmem>>) dst(%dma_wait3A_470 : memref<128x64xf32, #tpu.memory_space<hbm>>)
      } else {
      }
      %add3A_193 = arith.constant 4 : i32
      %add3A_194 = arith.addi %add3A_160, %add3A_193 : i32
      %lt3A_195 = arith.constant 200 : i32
      %lt3A_196 = arith.cmpi slt, %add3A_194, %lt3A_195 : i32
      %convert_element_type3A_197 = arith.extui %lt3A_196 : i1 to i32
      %cond3A_198 = arith.constant 0 : i32
      %cond3A_199 = arith.cmpi ne, %convert_element_type3A_197, %cond3A_198 : i32
      scf.if %cond3A_199 {
        %add3A_458 = arith.constant 4 : i32
        %add3A_459 = arith.addi %add3A_160, %add3A_458 : i32
        %dma_start3A_460 = arith.constant 5 : i32
        %dma_start3A_461 = arith.constant 0 : i32
        %dma_start3A_462 = arith.constant 0 : i32
        %dma_start3A_463 = tpu.memref_slice %arg6[%dma_start3A_460, %dma_start3A_461, %dma_start3A_462] : memref<8x128x64xf32, #tpu.memory_space<vmem>> -> memref<1x128x64xf32, #tpu.memory_space<vmem>>
        %dma_start3A_464 = tpu.memref_squeeze %dma_start3A_463 : memref<1x128x64xf32, #tpu.memory_space<vmem>> -> memref<128x64xf32, #tpu.memory_space<vmem>>
        %dma_start3A_465 = arith.constant 0 : i32
        %dma_start3A_466 = tpu.memref_slice %arg5[%add3A_459, %dma_start3A_465] : memref<200x128xi32, #tpu.memory_space<vmem>> -> memref<1x128xi32, #tpu.memory_space<vmem>>
        %dma_start3A_467 = tpu.memref_squeeze %dma_start3A_466 : memref<1x128xi32, #tpu.memory_space<vmem>> -> memref<128xi32, #tpu.memory_space<vmem>>
        %dma_start3A_468 = arith.constant 0 : i32
        %dma_start3A_469 = arith.constant 0 : i32
        %dma_start3A_470 = tpu.memref_slice %arg3[%dma_start3A_468, %dma_start3A_469] : memref<1000000x64xf32, #tpu.memory_space<hbm>> -> memref<1000000x64xf32, #tpu.memory_space<hbm>>
        tpu.enqueue_indirect_dma source(%dma_start3A_470 : memref<1000000x64xf32, #tpu.memory_space<hbm>>) target(%dma_start3A_464 : memref<128x64xf32, #tpu.memory_space<vmem>>) offsets(%dma_start3A_467 : memref<128xi32, #tpu.memory_space<vmem>>) semaphore(%arg12 : memref<!tpu.dma_semaphore, #tpu.memory_space<semaphore_mem>>)
      } else {
      }
      %mul3A_200 = arith.constant 8 : i32
      %mul3A_201 = arith.muli %add3A_117, %mul3A_200 : i32
      %add3A_202 = arith.constant 2 : i32
      %add3A_203 = arith.addi %mul3A_201, %add3A_202 : i32
      %dma_wait3A_204 = arith.constant 2 : i32
      %dma_wait3A_205 = arith.constant 0 : i32
      %dma_wait3A_206 = arith.constant 0 : i32
      %dma_wait3A_207 = tpu.memref_slice %arg6[%dma_wait3A_204, %dma_wait3A_205, %dma_wait3A_206] : memref<8x128x64xf32, #tpu.memory_space<vmem>> -> memref<1x128x64xf32, #tpu.memory_space<vmem>>
      %dma_wait3A_208 = tpu.memref_squeeze %dma_wait3A_207 : memref<1x128x64xf32, #tpu.memory_space<vmem>> -> memref<128x64xf32, #tpu.memory_space<vmem>>
      %dma_wait3A_209 = arith.constant 0 : i32
      %dma_wait3A_210 = tpu.memref_slice %arg5[%add3A_203, %dma_wait3A_209] : memref<200x128xi32, #tpu.memory_space<vmem>> -> memref<1x128xi32, #tpu.memory_space<vmem>>
      %dma_wait3A_211 = tpu.memref_squeeze %dma_wait3A_210 : memref<1x128xi32, #tpu.memory_space<vmem>> -> memref<128xi32, #tpu.memory_space<vmem>>
      %dma_wait3A_212 = arith.constant 0 : i32
      %dma_wait3A_213 = arith.constant 0 : i32
      %dma_wait3A_214 = tpu.memref_slice %arg3[%dma_wait3A_212, %dma_wait3A_213] : memref<1000000x64xf32, #tpu.memory_space<hbm>> -> memref<1000000x64xf32, #tpu.memory_space<hbm>>
      tpu.wait_indirect_dma semaphore(%arg9 : memref<!tpu.dma_semaphore, #tpu.memory_space<semaphore_mem>>) src(%dma_wait3A_214 : memref<1000000x64xf32, #tpu.memory_space<hbm>>) dst(%dma_wait3A_208 : memref<128x64xf32, #tpu.memory_space<vmem>>)
      %mul3A_215 = arith.constant 128 : i32
      %mul3A_216 = arith.muli %add3A_203, %mul3A_215 : i32
      %add3A_217 = arith.addi %mul3A_2, %mul3A_216 : i32
      %dma_start3A_218 = arith.constant 2 : i32
      %dma_start3A_219 = arith.constant 0 : i32
      %dma_start3A_220 = arith.constant 0 : i32
      %dma_start3A_221 = tpu.memref_slice %arg6[%dma_start3A_218, %dma_start3A_219, %dma_start3A_220] : memref<8x128x64xf32, #tpu.memory_space<vmem>> -> memref<1x128x64xf32, #tpu.memory_space<vmem>>
      %dma_start3A_222 = tpu.memref_squeeze %dma_start3A_221 : memref<1x128x64xf32, #tpu.memory_space<vmem>> -> memref<128x64xf32, #tpu.memory_space<vmem>>
      %dma_start3A_223 = arith.constant 0 : i32
      %dma_start3A_224 = tpu.memref_slice %arg4[%add3A_217, %dma_start3A_223] : memref<819200x64xf32, #tpu.memory_space<hbm>> -> memref<128x64xf32, #tpu.memory_space<hbm>>
      %dma_start3A_225 = arith.constant 0 : i32
      %dma_start3A_226 = tpu.memref_slice %arg4[%add3A_217, %dma_start3A_225] : memref<819200x64xf32, #tpu.memory_space<hbm>> -> memref<128x64xf32, #tpu.memory_space<hbm>>
      %dma_start3A_227 = arith.constant 0 : i32
      %dma_start3A_228 = arith.constant 0 : i32
      %dma_start3A_229 = tpu.memref_slice %arg6[%dma_start3A_218, %dma_start3A_227, %dma_start3A_228] : memref<8x128x64xf32, #tpu.memory_space<vmem>> -> memref<1x128x64xf32, #tpu.memory_space<vmem>>
      %dma_start3A_230 = tpu.memref_squeeze %dma_start3A_229 : memref<1x128x64xf32, #tpu.memory_space<vmem>> -> memref<128x64xf32, #tpu.memory_space<vmem>>
      tpu.enqueue_dma source(%dma_start3A_230 : memref<128x64xf32, #tpu.memory_space<vmem>>) target(%dma_start3A_226 : memref<128x64xf32, #tpu.memory_space<hbm>>) target_semaphore(%arg17 : memref<!tpu.dma_semaphore, #tpu.memory_space<semaphore_mem>>)
      %ge3A_231 = arith.constant 4 : i32
      %ge3A_232 = arith.cmpi sge, %add3A_203, %ge3A_231 : i32
      %convert_element_type3A_233 = arith.extui %ge3A_232 : i1 to i32
      %cond3A_234 = arith.constant 0 : i32
      %cond3A_235 = arith.cmpi ne, %convert_element_type3A_233, %cond3A_234 : i32
      scf.if %cond3A_235 {
        %sub3A = arith.constant 4 : i32
        %sub3A_458 = arith.subi %add3A_203, %sub3A : i32
        %mul3A_459 = arith.constant 128 : i32
        %mul3A_460 = arith.muli %sub3A_458, %mul3A_459 : i32
        %add3A_461 = arith.addi %mul3A_2, %mul3A_460 : i32
        %dma_wait3A_462 = arith.constant 6 : i32
        %dma_wait3A_463 = arith.constant 0 : i32
        %dma_wait3A_464 = arith.constant 0 : i32
        %dma_wait3A_465 = tpu.memref_slice %arg6[%dma_wait3A_462, %dma_wait3A_463, %dma_wait3A_464] : memref<8x128x64xf32, #tpu.memory_space<vmem>> -> memref<1x128x64xf32, #tpu.memory_space<vmem>>
        %dma_wait3A_466 = tpu.memref_squeeze %dma_wait3A_465 : memref<1x128x64xf32, #tpu.memory_space<vmem>> -> memref<128x64xf32, #tpu.memory_space<vmem>>
        %dma_wait3A_467 = arith.constant 0 : i32
        %dma_wait3A_468 = tpu.memref_slice %arg4[%add3A_461, %dma_wait3A_467] : memref<819200x64xf32, #tpu.memory_space<hbm>> -> memref<128x64xf32, #tpu.memory_space<hbm>>
        %dma_wait3A_469 = arith.constant 0 : i32
        %dma_wait3A_470 = tpu.memref_slice %arg4[%add3A_461, %dma_wait3A_469] : memref<819200x64xf32, #tpu.memory_space<hbm>> -> memref<128x64xf32, #tpu.memory_space<hbm>>
        %dma_wait3A_471 = arith.constant 0 : i32
        %dma_wait3A_472 = arith.constant 0 : i32
        %dma_wait3A_473 = tpu.memref_slice %arg6[%dma_wait3A_462, %dma_wait3A_471, %dma_wait3A_472] : memref<8x128x64xf32, #tpu.memory_space<vmem>> -> memref<1x128x64xf32, #tpu.memory_space<vmem>>
        %dma_wait3A_474 = tpu.memref_squeeze %dma_wait3A_473 : memref<1x128x64xf32, #tpu.memory_space<vmem>> -> memref<128x64xf32, #tpu.memory_space<vmem>>
        tpu.wait_dma2 semaphore(%arg21 : memref<!tpu.dma_semaphore, #tpu.memory_space<semaphore_mem>>) src(%dma_wait3A_474 : memref<128x64xf32, #tpu.memory_space<vmem>>) dst(%dma_wait3A_470 : memref<128x64xf32, #tpu.memory_space<hbm>>)
      } else {
      }
      %add3A_236 = arith.constant 4 : i32
      %add3A_237 = arith.addi %add3A_203, %add3A_236 : i32
      %lt3A_238 = arith.constant 200 : i32
      %lt3A_239 = arith.cmpi slt, %add3A_237, %lt3A_238 : i32
      %convert_element_type3A_240 = arith.extui %lt3A_239 : i1 to i32
      %cond3A_241 = arith.constant 0 : i32
      %cond3A_242 = arith.cmpi ne, %convert_element_type3A_240, %cond3A_241 : i32
      scf.if %cond3A_242 {
        %add3A_458 = arith.constant 4 : i32
        %add3A_459 = arith.addi %add3A_203, %add3A_458 : i32
        %dma_start3A_460 = arith.constant 6 : i32
        %dma_start3A_461 = arith.constant 0 : i32
        %dma_start3A_462 = arith.constant 0 : i32
        %dma_start3A_463 = tpu.memref_slice %arg6[%dma_start3A_460, %dma_start3A_461, %dma_start3A_462] : memref<8x128x64xf32, #tpu.memory_space<vmem>> -> memref<1x128x64xf32, #tpu.memory_space<vmem>>
        %dma_start3A_464 = tpu.memref_squeeze %dma_start3A_463 : memref<1x128x64xf32, #tpu.memory_space<vmem>> -> memref<128x64xf32, #tpu.memory_space<vmem>>
        %dma_start3A_465 = arith.constant 0 : i32
        %dma_start3A_466 = tpu.memref_slice %arg5[%add3A_459, %dma_start3A_465] : memref<200x128xi32, #tpu.memory_space<vmem>> -> memref<1x128xi32, #tpu.memory_space<vmem>>
        %dma_start3A_467 = tpu.memref_squeeze %dma_start3A_466 : memref<1x128xi32, #tpu.memory_space<vmem>> -> memref<128xi32, #tpu.memory_space<vmem>>
        %dma_start3A_468 = arith.constant 0 : i32
        %dma_start3A_469 = arith.constant 0 : i32
        %dma_start3A_470 = tpu.memref_slice %arg3[%dma_start3A_468, %dma_start3A_469] : memref<1000000x64xf32, #tpu.memory_space<hbm>> -> memref<1000000x64xf32, #tpu.memory_space<hbm>>
        tpu.enqueue_indirect_dma source(%dma_start3A_470 : memref<1000000x64xf32, #tpu.memory_space<hbm>>) target(%dma_start3A_464 : memref<128x64xf32, #tpu.memory_space<vmem>>) offsets(%dma_start3A_467 : memref<128xi32, #tpu.memory_space<vmem>>) semaphore(%arg13 : memref<!tpu.dma_semaphore, #tpu.memory_space<semaphore_mem>>)
      } else {
      }
      %mul3A_243 = arith.constant 8 : i32
      %mul3A_244 = arith.muli %add3A_117, %mul3A_243 : i32
      %add3A_245 = arith.constant 3 : i32
      %add3A_246 = arith.addi %mul3A_244, %add3A_245 : i32
      %dma_wait3A_247 = arith.constant 3 : i32
      %dma_wait3A_248 = arith.constant 0 : i32
      %dma_wait3A_249 = arith.constant 0 : i32
      %dma_wait3A_250 = tpu.memref_slice %arg6[%dma_wait3A_247, %dma_wait3A_248, %dma_wait3A_249] : memref<8x128x64xf32, #tpu.memory_space<vmem>> -> memref<1x128x64xf32, #tpu.memory_space<vmem>>
      %dma_wait3A_251 = tpu.memref_squeeze %dma_wait3A_250 : memref<1x128x64xf32, #tpu.memory_space<vmem>> -> memref<128x64xf32, #tpu.memory_space<vmem>>
      %dma_wait3A_252 = arith.constant 0 : i32
      %dma_wait3A_253 = tpu.memref_slice %arg5[%add3A_246, %dma_wait3A_252] : memref<200x128xi32, #tpu.memory_space<vmem>> -> memref<1x128xi32, #tpu.memory_space<vmem>>
      %dma_wait3A_254 = tpu.memref_squeeze %dma_wait3A_253 : memref<1x128xi32, #tpu.memory_space<vmem>> -> memref<128xi32, #tpu.memory_space<vmem>>
      %dma_wait3A_255 = arith.constant 0 : i32
      %dma_wait3A_256 = arith.constant 0 : i32
      %dma_wait3A_257 = tpu.memref_slice %arg3[%dma_wait3A_255, %dma_wait3A_256] : memref<1000000x64xf32, #tpu.memory_space<hbm>> -> memref<1000000x64xf32, #tpu.memory_space<hbm>>
      tpu.wait_indirect_dma semaphore(%arg10 : memref<!tpu.dma_semaphore, #tpu.memory_space<semaphore_mem>>) src(%dma_wait3A_257 : memref<1000000x64xf32, #tpu.memory_space<hbm>>) dst(%dma_wait3A_251 : memref<128x64xf32, #tpu.memory_space<vmem>>)
      %mul3A_258 = arith.constant 128 : i32
      %mul3A_259 = arith.muli %add3A_246, %mul3A_258 : i32
      %add3A_260 = arith.addi %mul3A_2, %mul3A_259 : i32
      %dma_start3A_261 = arith.constant 3 : i32
      %dma_start3A_262 = arith.constant 0 : i32
      %dma_start3A_263 = arith.constant 0 : i32
      %dma_start3A_264 = tpu.memref_slice %arg6[%dma_start3A_261, %dma_start3A_262, %dma_start3A_263] : memref<8x128x64xf32, #tpu.memory_space<vmem>> -> memref<1x128x64xf32, #tpu.memory_space<vmem>>
      %dma_start3A_265 = tpu.memref_squeeze %dma_start3A_264 : memref<1x128x64xf32, #tpu.memory_space<vmem>> -> memref<128x64xf32, #tpu.memory_space<vmem>>
      %dma_start3A_266 = arith.constant 0 : i32
      %dma_start3A_267 = tpu.memref_slice %arg4[%add3A_260, %dma_start3A_266] : memref<819200x64xf32, #tpu.memory_space<hbm>> -> memref<128x64xf32, #tpu.memory_space<hbm>>
      %dma_start3A_268 = arith.constant 0 : i32
      %dma_start3A_269 = tpu.memref_slice %arg4[%add3A_260, %dma_start3A_268] : memref<819200x64xf32, #tpu.memory_space<hbm>> -> memref<128x64xf32, #tpu.memory_space<hbm>>
      %dma_start3A_270 = arith.constant 0 : i32
      %dma_start3A_271 = arith.constant 0 : i32
      %dma_start3A_272 = tpu.memref_slice %arg6[%dma_start3A_261, %dma_start3A_270, %dma_start3A_271] : memref<8x128x64xf32, #tpu.memory_space<vmem>> -> memref<1x128x64xf32, #tpu.memory_space<vmem>>
      %dma_start3A_273 = tpu.memref_squeeze %dma_start3A_272 : memref<1x128x64xf32, #tpu.memory_space<vmem>> -> memref<128x64xf32, #tpu.memory_space<vmem>>
      tpu.enqueue_dma source(%dma_start3A_273 : memref<128x64xf32, #tpu.memory_space<vmem>>) target(%dma_start3A_269 : memref<128x64xf32, #tpu.memory_space<hbm>>) target_semaphore(%arg18 : memref<!tpu.dma_semaphore, #tpu.memory_space<semaphore_mem>>)
      %ge3A_274 = arith.constant 4 : i32
      %ge3A_275 = arith.cmpi sge, %add3A_246, %ge3A_274 : i32
      %convert_element_type3A_276 = arith.extui %ge3A_275 : i1 to i32
      %cond3A_277 = arith.constant 0 : i32
      %cond3A_278 = arith.cmpi ne, %convert_element_type3A_276, %cond3A_277 : i32
      scf.if %cond3A_278 {
        %sub3A = arith.constant 4 : i32
        %sub3A_458 = arith.subi %add3A_246, %sub3A : i32
        %mul3A_459 = arith.constant 128 : i32
        %mul3A_460 = arith.muli %sub3A_458, %mul3A_459 : i32
        %add3A_461 = arith.addi %mul3A_2, %mul3A_460 : i32
        %dma_wait3A_462 = arith.constant 7 : i32
        %dma_wait3A_463 = arith.constant 0 : i32
        %dma_wait3A_464 = arith.constant 0 : i32
        %dma_wait3A_465 = tpu.memref_slice %arg6[%dma_wait3A_462, %dma_wait3A_463, %dma_wait3A_464] : memref<8x128x64xf32, #tpu.memory_space<vmem>> -> memref<1x128x64xf32, #tpu.memory_space<vmem>>
        %dma_wait3A_466 = tpu.memref_squeeze %dma_wait3A_465 : memref<1x128x64xf32, #tpu.memory_space<vmem>> -> memref<128x64xf32, #tpu.memory_space<vmem>>
        %dma_wait3A_467 = arith.constant 0 : i32
        %dma_wait3A_468 = tpu.memref_slice %arg4[%add3A_461, %dma_wait3A_467] : memref<819200x64xf32, #tpu.memory_space<hbm>> -> memref<128x64xf32, #tpu.memory_space<hbm>>
        %dma_wait3A_469 = arith.constant 0 : i32
        %dma_wait3A_470 = tpu.memref_slice %arg4[%add3A_461, %dma_wait3A_469] : memref<819200x64xf32, #tpu.memory_space<hbm>> -> memref<128x64xf32, #tpu.memory_space<hbm>>
        %dma_wait3A_471 = arith.constant 0 : i32
        %dma_wait3A_472 = arith.constant 0 : i32
        %dma_wait3A_473 = tpu.memref_slice %arg6[%dma_wait3A_462, %dma_wait3A_471, %dma_wait3A_472] : memref<8x128x64xf32, #tpu.memory_space<vmem>> -> memref<1x128x64xf32, #tpu.memory_space<vmem>>
        %dma_wait3A_474 = tpu.memref_squeeze %dma_wait3A_473 : memref<1x128x64xf32, #tpu.memory_space<vmem>> -> memref<128x64xf32, #tpu.memory_space<vmem>>
        tpu.wait_dma2 semaphore(%arg22 : memref<!tpu.dma_semaphore, #tpu.memory_space<semaphore_mem>>) src(%dma_wait3A_474 : memref<128x64xf32, #tpu.memory_space<vmem>>) dst(%dma_wait3A_470 : memref<128x64xf32, #tpu.memory_space<hbm>>)
      } else {
      }
      %add3A_279 = arith.constant 4 : i32
      %add3A_280 = arith.addi %add3A_246, %add3A_279 : i32
      %lt3A_281 = arith.constant 200 : i32
      %lt3A_282 = arith.cmpi slt, %add3A_280, %lt3A_281 : i32
      %convert_element_type3A_283 = arith.extui %lt3A_282 : i1 to i32
      %cond3A_284 = arith.constant 0 : i32
      %cond3A_285 = arith.cmpi ne, %convert_element_type3A_283, %cond3A_284 : i32
      scf.if %cond3A_285 {
        %add3A_458 = arith.constant 4 : i32
        %add3A_459 = arith.addi %add3A_246, %add3A_458 : i32
        %dma_start3A_460 = arith.constant 7 : i32
        %dma_start3A_461 = arith.constant 0 : i32
        %dma_start3A_462 = arith.constant 0 : i32
        %dma_start3A_463 = tpu.memref_slice %arg6[%dma_start3A_460, %dma_start3A_461, %dma_start3A_462] : memref<8x128x64xf32, #tpu.memory_space<vmem>> -> memref<1x128x64xf32, #tpu.memory_space<vmem>>
        %dma_start3A_464 = tpu.memref_squeeze %dma_start3A_463 : memref<1x128x64xf32, #tpu.memory_space<vmem>> -> memref<128x64xf32, #tpu.memory_space<vmem>>
        %dma_start3A_465 = arith.constant 0 : i32
        %dma_start3A_466 = tpu.memref_slice %arg5[%add3A_459, %dma_start3A_465] : memref<200x128xi32, #tpu.memory_space<vmem>> -> memref<1x128xi32, #tpu.memory_space<vmem>>
        %dma_start3A_467 = tpu.memref_squeeze %dma_start3A_466 : memref<1x128xi32, #tpu.memory_space<vmem>> -> memref<128xi32, #tpu.memory_space<vmem>>
        %dma_start3A_468 = arith.constant 0 : i32
        %dma_start3A_469 = arith.constant 0 : i32
        %dma_start3A_470 = tpu.memref_slice %arg3[%dma_start3A_468, %dma_start3A_469] : memref<1000000x64xf32, #tpu.memory_space<hbm>> -> memref<1000000x64xf32, #tpu.memory_space<hbm>>
        tpu.enqueue_indirect_dma source(%dma_start3A_470 : memref<1000000x64xf32, #tpu.memory_space<hbm>>) target(%dma_start3A_464 : memref<128x64xf32, #tpu.memory_space<vmem>>) offsets(%dma_start3A_467 : memref<128xi32, #tpu.memory_space<vmem>>) semaphore(%arg14 : memref<!tpu.dma_semaphore, #tpu.memory_space<semaphore_mem>>)
      } else {
      }
      %mul3A_286 = arith.constant 8 : i32
      %mul3A_287 = arith.muli %add3A_117, %mul3A_286 : i32
      %add3A_288 = arith.constant 4 : i32
      %add3A_289 = arith.addi %mul3A_287, %add3A_288 : i32
      %dma_wait3A_290 = arith.constant 4 : i32
      %dma_wait3A_291 = arith.constant 0 : i32
      %dma_wait3A_292 = arith.constant 0 : i32
      %dma_wait3A_293 = tpu.memref_slice %arg6[%dma_wait3A_290, %dma_wait3A_291, %dma_wait3A_292] : memref<8x128x64xf32, #tpu.memory_space<vmem>> -> memref<1x128x64xf32, #tpu.memory_space<vmem>>
      %dma_wait3A_294 = tpu.memref_squeeze %dma_wait3A_293 : memref<1x128x64xf32, #tpu.memory_space<vmem>> -> memref<128x64xf32, #tpu.memory_space<vmem>>
      %dma_wait3A_295 = arith.constant 0 : i32
      %dma_wait3A_296 = tpu.memref_slice %arg5[%add3A_289, %dma_wait3A_295] : memref<200x128xi32, #tpu.memory_space<vmem>> -> memref<1x128xi32, #tpu.memory_space<vmem>>
      %dma_wait3A_297 = tpu.memref_squeeze %dma_wait3A_296 : memref<1x128xi32, #tpu.memory_space<vmem>> -> memref<128xi32, #tpu.memory_space<vmem>>
      %dma_wait3A_298 = arith.constant 0 : i32
      %dma_wait3A_299 = arith.constant 0 : i32
      %dma_wait3A_300 = tpu.memref_slice %arg3[%dma_wait3A_298, %dma_wait3A_299] : memref<1000000x64xf32, #tpu.memory_space<hbm>> -> memref<1000000x64xf32, #tpu.memory_space<hbm>>
      tpu.wait_indirect_dma semaphore(%arg11 : memref<!tpu.dma_semaphore, #tpu.memory_space<semaphore_mem>>) src(%dma_wait3A_300 : memref<1000000x64xf32, #tpu.memory_space<hbm>>) dst(%dma_wait3A_294 : memref<128x64xf32, #tpu.memory_space<vmem>>)
      %mul3A_301 = arith.constant 128 : i32
      %mul3A_302 = arith.muli %add3A_289, %mul3A_301 : i32
      %add3A_303 = arith.addi %mul3A_2, %mul3A_302 : i32
      %dma_start3A_304 = arith.constant 4 : i32
      %dma_start3A_305 = arith.constant 0 : i32
      %dma_start3A_306 = arith.constant 0 : i32
      %dma_start3A_307 = tpu.memref_slice %arg6[%dma_start3A_304, %dma_start3A_305, %dma_start3A_306] : memref<8x128x64xf32, #tpu.memory_space<vmem>> -> memref<1x128x64xf32, #tpu.memory_space<vmem>>
      %dma_start3A_308 = tpu.memref_squeeze %dma_start3A_307 : memref<1x128x64xf32, #tpu.memory_space<vmem>> -> memref<128x64xf32, #tpu.memory_space<vmem>>
      %dma_start3A_309 = arith.constant 0 : i32
      %dma_start3A_310 = tpu.memref_slice %arg4[%add3A_303, %dma_start3A_309] : memref<819200x64xf32, #tpu.memory_space<hbm>> -> memref<128x64xf32, #tpu.memory_space<hbm>>
      %dma_start3A_311 = arith.constant 0 : i32
      %dma_start3A_312 = tpu.memref_slice %arg4[%add3A_303, %dma_start3A_311] : memref<819200x64xf32, #tpu.memory_space<hbm>> -> memref<128x64xf32, #tpu.memory_space<hbm>>
      %dma_start3A_313 = arith.constant 0 : i32
      %dma_start3A_314 = arith.constant 0 : i32
      %dma_start3A_315 = tpu.memref_slice %arg6[%dma_start3A_304, %dma_start3A_313, %dma_start3A_314] : memref<8x128x64xf32, #tpu.memory_space<vmem>> -> memref<1x128x64xf32, #tpu.memory_space<vmem>>
      %dma_start3A_316 = tpu.memref_squeeze %dma_start3A_315 : memref<1x128x64xf32, #tpu.memory_space<vmem>> -> memref<128x64xf32, #tpu.memory_space<vmem>>
      tpu.enqueue_dma source(%dma_start3A_316 : memref<128x64xf32, #tpu.memory_space<vmem>>) target(%dma_start3A_312 : memref<128x64xf32, #tpu.memory_space<hbm>>) target_semaphore(%arg19 : memref<!tpu.dma_semaphore, #tpu.memory_space<semaphore_mem>>)
      %ge3A_317 = arith.constant 4 : i32
      %ge3A_318 = arith.cmpi sge, %add3A_289, %ge3A_317 : i32
      %convert_element_type3A_319 = arith.extui %ge3A_318 : i1 to i32
      %cond3A_320 = arith.constant 0 : i32
      %cond3A_321 = arith.cmpi ne, %convert_element_type3A_319, %cond3A_320 : i32
      scf.if %cond3A_321 {
        %sub3A = arith.constant 4 : i32
        %sub3A_458 = arith.subi %add3A_289, %sub3A : i32
        %mul3A_459 = arith.constant 128 : i32
        %mul3A_460 = arith.muli %sub3A_458, %mul3A_459 : i32
        %add3A_461 = arith.addi %mul3A_2, %mul3A_460 : i32
        %dma_wait3A_462 = arith.constant 0 : i32
        %dma_wait3A_463 = arith.constant 0 : i32
        %dma_wait3A_464 = arith.constant 0 : i32
        %dma_wait3A_465 = tpu.memref_slice %arg6[%dma_wait3A_462, %dma_wait3A_463, %dma_wait3A_464] : memref<8x128x64xf32, #tpu.memory_space<vmem>> -> memref<1x128x64xf32, #tpu.memory_space<vmem>>
        %dma_wait3A_466 = tpu.memref_squeeze %dma_wait3A_465 : memref<1x128x64xf32, #tpu.memory_space<vmem>> -> memref<128x64xf32, #tpu.memory_space<vmem>>
        %dma_wait3A_467 = arith.constant 0 : i32
        %dma_wait3A_468 = tpu.memref_slice %arg4[%add3A_461, %dma_wait3A_467] : memref<819200x64xf32, #tpu.memory_space<hbm>> -> memref<128x64xf32, #tpu.memory_space<hbm>>
        %dma_wait3A_469 = arith.constant 0 : i32
        %dma_wait3A_470 = tpu.memref_slice %arg4[%add3A_461, %dma_wait3A_469] : memref<819200x64xf32, #tpu.memory_space<hbm>> -> memref<128x64xf32, #tpu.memory_space<hbm>>
        %dma_wait3A_471 = arith.constant 0 : i32
        %dma_wait3A_472 = arith.constant 0 : i32
        %dma_wait3A_473 = tpu.memref_slice %arg6[%dma_wait3A_462, %dma_wait3A_471, %dma_wait3A_472] : memref<8x128x64xf32, #tpu.memory_space<vmem>> -> memref<1x128x64xf32, #tpu.memory_space<vmem>>
        %dma_wait3A_474 = tpu.memref_squeeze %dma_wait3A_473 : memref<1x128x64xf32, #tpu.memory_space<vmem>> -> memref<128x64xf32, #tpu.memory_space<vmem>>
        tpu.wait_dma2 semaphore(%arg15 : memref<!tpu.dma_semaphore, #tpu.memory_space<semaphore_mem>>) src(%dma_wait3A_474 : memref<128x64xf32, #tpu.memory_space<vmem>>) dst(%dma_wait3A_470 : memref<128x64xf32, #tpu.memory_space<hbm>>)
      } else {
      }
      %add3A_322 = arith.constant 4 : i32
      %add3A_323 = arith.addi %add3A_289, %add3A_322 : i32
      %lt3A_324 = arith.constant 200 : i32
      %lt3A_325 = arith.cmpi slt, %add3A_323, %lt3A_324 : i32
      %convert_element_type3A_326 = arith.extui %lt3A_325 : i1 to i32
      %cond3A_327 = arith.constant 0 : i32
      %cond3A_328 = arith.cmpi ne, %convert_element_type3A_326, %cond3A_327 : i32
      scf.if %cond3A_328 {
        %add3A_458 = arith.constant 4 : i32
        %add3A_459 = arith.addi %add3A_289, %add3A_458 : i32
        %dma_start3A_460 = arith.constant 0 : i32
        %dma_start3A_461 = arith.constant 0 : i32
        %dma_start3A_462 = arith.constant 0 : i32
        %dma_start3A_463 = tpu.memref_slice %arg6[%dma_start3A_460, %dma_start3A_461, %dma_start3A_462] : memref<8x128x64xf32, #tpu.memory_space<vmem>> -> memref<1x128x64xf32, #tpu.memory_space<vmem>>
        %dma_start3A_464 = tpu.memref_squeeze %dma_start3A_463 : memref<1x128x64xf32, #tpu.memory_space<vmem>> -> memref<128x64xf32, #tpu.memory_space<vmem>>
        %dma_start3A_465 = arith.constant 0 : i32
        %dma_start3A_466 = tpu.memref_slice %arg5[%add3A_459, %dma_start3A_465] : memref<200x128xi32, #tpu.memory_space<vmem>> -> memref<1x128xi32, #tpu.memory_space<vmem>>
        %dma_start3A_467 = tpu.memref_squeeze %dma_start3A_466 : memref<1x128xi32, #tpu.memory_space<vmem>> -> memref<128xi32, #tpu.memory_space<vmem>>
        %dma_start3A_468 = arith.constant 0 : i32
        %dma_start3A_469 = arith.constant 0 : i32
        %dma_start3A_470 = tpu.memref_slice %arg3[%dma_start3A_468, %dma_start3A_469] : memref<1000000x64xf32, #tpu.memory_space<hbm>> -> memref<1000000x64xf32, #tpu.memory_space<hbm>>
        tpu.enqueue_indirect_dma source(%dma_start3A_470 : memref<1000000x64xf32, #tpu.memory_space<hbm>>) target(%dma_start3A_464 : memref<128x64xf32, #tpu.memory_space<vmem>>) offsets(%dma_start3A_467 : memref<128xi32, #tpu.memory_space<vmem>>) semaphore(%arg7 : memref<!tpu.dma_semaphore, #tpu.memory_space<semaphore_mem>>)
      } else {
      }
      %mul3A_329 = arith.constant 8 : i32
      %mul3A_330 = arith.muli %add3A_117, %mul3A_329 : i32
      %add3A_331 = arith.constant 5 : i32
      %add3A_332 = arith.addi %mul3A_330, %add3A_331 : i32
      %dma_wait3A_333 = arith.constant 5 : i32
      %dma_wait3A_334 = arith.constant 0 : i32
      %dma_wait3A_335 = arith.constant 0 : i32
      %dma_wait3A_336 = tpu.memref_slice %arg6[%dma_wait3A_333, %dma_wait3A_334, %dma_wait3A_335] : memref<8x128x64xf32, #tpu.memory_space<vmem>> -> memref<1x128x64xf32, #tpu.memory_space<vmem>>
      %dma_wait3A_337 = tpu.memref_squeeze %dma_wait3A_336 : memref<1x128x64xf32, #tpu.memory_space<vmem>> -> memref<128x64xf32, #tpu.memory_space<vmem>>
      %dma_wait3A_338 = arith.constant 0 : i32
      %dma_wait3A_339 = tpu.memref_slice %arg5[%add3A_332, %dma_wait3A_338] : memref<200x128xi32, #tpu.memory_space<vmem>> -> memref<1x128xi32, #tpu.memory_space<vmem>>
      %dma_wait3A_340 = tpu.memref_squeeze %dma_wait3A_339 : memref<1x128xi32, #tpu.memory_space<vmem>> -> memref<128xi32, #tpu.memory_space<vmem>>
      %dma_wait3A_341 = arith.constant 0 : i32
      %dma_wait3A_342 = arith.constant 0 : i32
      %dma_wait3A_343 = tpu.memref_slice %arg3[%dma_wait3A_341, %dma_wait3A_342] : memref<1000000x64xf32, #tpu.memory_space<hbm>> -> memref<1000000x64xf32, #tpu.memory_space<hbm>>
      tpu.wait_indirect_dma semaphore(%arg12 : memref<!tpu.dma_semaphore, #tpu.memory_space<semaphore_mem>>) src(%dma_wait3A_343 : memref<1000000x64xf32, #tpu.memory_space<hbm>>) dst(%dma_wait3A_337 : memref<128x64xf32, #tpu.memory_space<vmem>>)
      %mul3A_344 = arith.constant 128 : i32
      %mul3A_345 = arith.muli %add3A_332, %mul3A_344 : i32
      %add3A_346 = arith.addi %mul3A_2, %mul3A_345 : i32
      %dma_start3A_347 = arith.constant 5 : i32
      %dma_start3A_348 = arith.constant 0 : i32
      %dma_start3A_349 = arith.constant 0 : i32
      %dma_start3A_350 = tpu.memref_slice %arg6[%dma_start3A_347, %dma_start3A_348, %dma_start3A_349] : memref<8x128x64xf32, #tpu.memory_space<vmem>> -> memref<1x128x64xf32, #tpu.memory_space<vmem>>
      %dma_start3A_351 = tpu.memref_squeeze %dma_start3A_350 : memref<1x128x64xf32, #tpu.memory_space<vmem>> -> memref<128x64xf32, #tpu.memory_space<vmem>>
      %dma_start3A_352 = arith.constant 0 : i32
      %dma_start3A_353 = tpu.memref_slice %arg4[%add3A_346, %dma_start3A_352] : memref<819200x64xf32, #tpu.memory_space<hbm>> -> memref<128x64xf32, #tpu.memory_space<hbm>>
      %dma_start3A_354 = arith.constant 0 : i32
      %dma_start3A_355 = tpu.memref_slice %arg4[%add3A_346, %dma_start3A_354] : memref<819200x64xf32, #tpu.memory_space<hbm>> -> memref<128x64xf32, #tpu.memory_space<hbm>>
      %dma_start3A_356 = arith.constant 0 : i32
      %dma_start3A_357 = arith.constant 0 : i32
      %dma_start3A_358 = tpu.memref_slice %arg6[%dma_start3A_347, %dma_start3A_356, %dma_start3A_357] : memref<8x128x64xf32, #tpu.memory_space<vmem>> -> memref<1x128x64xf32, #tpu.memory_space<vmem>>
      %dma_start3A_359 = tpu.memref_squeeze %dma_start3A_358 : memref<1x128x64xf32, #tpu.memory_space<vmem>> -> memref<128x64xf32, #tpu.memory_space<vmem>>
      tpu.enqueue_dma source(%dma_start3A_359 : memref<128x64xf32, #tpu.memory_space<vmem>>) target(%dma_start3A_355 : memref<128x64xf32, #tpu.memory_space<hbm>>) target_semaphore(%arg20 : memref<!tpu.dma_semaphore, #tpu.memory_space<semaphore_mem>>)
      %ge3A_360 = arith.constant 4 : i32
      %ge3A_361 = arith.cmpi sge, %add3A_332, %ge3A_360 : i32
      %convert_element_type3A_362 = arith.extui %ge3A_361 : i1 to i32
      %cond3A_363 = arith.constant 0 : i32
      %cond3A_364 = arith.cmpi ne, %convert_element_type3A_362, %cond3A_363 : i32
      scf.if %cond3A_364 {
        %sub3A = arith.constant 4 : i32
        %sub3A_458 = arith.subi %add3A_332, %sub3A : i32
        %mul3A_459 = arith.constant 128 : i32
        %mul3A_460 = arith.muli %sub3A_458, %mul3A_459 : i32
        %add3A_461 = arith.addi %mul3A_2, %mul3A_460 : i32
        %dma_wait3A_462 = arith.constant 1 : i32
        %dma_wait3A_463 = arith.constant 0 : i32
        %dma_wait3A_464 = arith.constant 0 : i32
        %dma_wait3A_465 = tpu.memref_slice %arg6[%dma_wait3A_462, %dma_wait3A_463, %dma_wait3A_464] : memref<8x128x64xf32, #tpu.memory_space<vmem>> -> memref<1x128x64xf32, #tpu.memory_space<vmem>>
        %dma_wait3A_466 = tpu.memref_squeeze %dma_wait3A_465 : memref<1x128x64xf32, #tpu.memory_space<vmem>> -> memref<128x64xf32, #tpu.memory_space<vmem>>
        %dma_wait3A_467 = arith.constant 0 : i32
        %dma_wait3A_468 = tpu.memref_slice %arg4[%add3A_461, %dma_wait3A_467] : memref<819200x64xf32, #tpu.memory_space<hbm>> -> memref<128x64xf32, #tpu.memory_space<hbm>>
        %dma_wait3A_469 = arith.constant 0 : i32
        %dma_wait3A_470 = tpu.memref_slice %arg4[%add3A_461, %dma_wait3A_469] : memref<819200x64xf32, #tpu.memory_space<hbm>> -> memref<128x64xf32, #tpu.memory_space<hbm>>
        %dma_wait3A_471 = arith.constant 0 : i32
        %dma_wait3A_472 = arith.constant 0 : i32
        %dma_wait3A_473 = tpu.memref_slice %arg6[%dma_wait3A_462, %dma_wait3A_471, %dma_wait3A_472] : memref<8x128x64xf32, #tpu.memory_space<vmem>> -> memref<1x128x64xf32, #tpu.memory_space<vmem>>
        %dma_wait3A_474 = tpu.memref_squeeze %dma_wait3A_473 : memref<1x128x64xf32, #tpu.memory_space<vmem>> -> memref<128x64xf32, #tpu.memory_space<vmem>>
        tpu.wait_dma2 semaphore(%arg16 : memref<!tpu.dma_semaphore, #tpu.memory_space<semaphore_mem>>) src(%dma_wait3A_474 : memref<128x64xf32, #tpu.memory_space<vmem>>) dst(%dma_wait3A_470 : memref<128x64xf32, #tpu.memory_space<hbm>>)
      } else {
      }
      %add3A_365 = arith.constant 4 : i32
      %add3A_366 = arith.addi %add3A_332, %add3A_365 : i32
      %lt3A_367 = arith.constant 200 : i32
      %lt3A_368 = arith.cmpi slt, %add3A_366, %lt3A_367 : i32
      %convert_element_type3A_369 = arith.extui %lt3A_368 : i1 to i32
      %cond3A_370 = arith.constant 0 : i32
      %cond3A_371 = arith.cmpi ne, %convert_element_type3A_369, %cond3A_370 : i32
      scf.if %cond3A_371 {
        %add3A_458 = arith.constant 4 : i32
        %add3A_459 = arith.addi %add3A_332, %add3A_458 : i32
        %dma_start3A_460 = arith.constant 1 : i32
        %dma_start3A_461 = arith.constant 0 : i32
        %dma_start3A_462 = arith.constant 0 : i32
        %dma_start3A_463 = tpu.memref_slice %arg6[%dma_start3A_460, %dma_start3A_461, %dma_start3A_462] : memref<8x128x64xf32, #tpu.memory_space<vmem>> -> memref<1x128x64xf32, #tpu.memory_space<vmem>>
        %dma_start3A_464 = tpu.memref_squeeze %dma_start3A_463 : memref<1x128x64xf32, #tpu.memory_space<vmem>> -> memref<128x64xf32, #tpu.memory_space<vmem>>
        %dma_start3A_465 = arith.constant 0 : i32
        %dma_start3A_466 = tpu.memref_slice %arg5[%add3A_459, %dma_start3A_465] : memref<200x128xi32, #tpu.memory_space<vmem>> -> memref<1x128xi32, #tpu.memory_space<vmem>>
        %dma_start3A_467 = tpu.memref_squeeze %dma_start3A_466 : memref<1x128xi32, #tpu.memory_space<vmem>> -> memref<128xi32, #tpu.memory_space<vmem>>
        %dma_start3A_468 = arith.constant 0 : i32
        %dma_start3A_469 = arith.constant 0 : i32
        %dma_start3A_470 = tpu.memref_slice %arg3[%dma_start3A_468, %dma_start3A_469] : memref<1000000x64xf32, #tpu.memory_space<hbm>> -> memref<1000000x64xf32, #tpu.memory_space<hbm>>
        tpu.enqueue_indirect_dma source(%dma_start3A_470 : memref<1000000x64xf32, #tpu.memory_space<hbm>>) target(%dma_start3A_464 : memref<128x64xf32, #tpu.memory_space<vmem>>) offsets(%dma_start3A_467 : memref<128xi32, #tpu.memory_space<vmem>>) semaphore(%arg8 : memref<!tpu.dma_semaphore, #tpu.memory_space<semaphore_mem>>)
      } else {
      }
      %mul3A_372 = arith.constant 8 : i32
      %mul3A_373 = arith.muli %add3A_117, %mul3A_372 : i32
      %add3A_374 = arith.constant 6 : i32
      %add3A_375 = arith.addi %mul3A_373, %add3A_374 : i32
      %dma_wait3A_376 = arith.constant 6 : i32
      %dma_wait3A_377 = arith.constant 0 : i32
      %dma_wait3A_378 = arith.constant 0 : i32
      %dma_wait3A_379 = tpu.memref_slice %arg6[%dma_wait3A_376, %dma_wait3A_377, %dma_wait3A_378] : memref<8x128x64xf32, #tpu.memory_space<vmem>> -> memref<1x128x64xf32, #tpu.memory_space<vmem>>
      %dma_wait3A_380 = tpu.memref_squeeze %dma_wait3A_379 : memref<1x128x64xf32, #tpu.memory_space<vmem>> -> memref<128x64xf32, #tpu.memory_space<vmem>>
      %dma_wait3A_381 = arith.constant 0 : i32
      %dma_wait3A_382 = tpu.memref_slice %arg5[%add3A_375, %dma_wait3A_381] : memref<200x128xi32, #tpu.memory_space<vmem>> -> memref<1x128xi32, #tpu.memory_space<vmem>>
      %dma_wait3A_383 = tpu.memref_squeeze %dma_wait3A_382 : memref<1x128xi32, #tpu.memory_space<vmem>> -> memref<128xi32, #tpu.memory_space<vmem>>
      %dma_wait3A_384 = arith.constant 0 : i32
      %dma_wait3A_385 = arith.constant 0 : i32
      %dma_wait3A_386 = tpu.memref_slice %arg3[%dma_wait3A_384, %dma_wait3A_385] : memref<1000000x64xf32, #tpu.memory_space<hbm>> -> memref<1000000x64xf32, #tpu.memory_space<hbm>>
      tpu.wait_indirect_dma semaphore(%arg13 : memref<!tpu.dma_semaphore, #tpu.memory_space<semaphore_mem>>) src(%dma_wait3A_386 : memref<1000000x64xf32, #tpu.memory_space<hbm>>) dst(%dma_wait3A_380 : memref<128x64xf32, #tpu.memory_space<vmem>>)
      %mul3A_387 = arith.constant 128 : i32
      %mul3A_388 = arith.muli %add3A_375, %mul3A_387 : i32
      %add3A_389 = arith.addi %mul3A_2, %mul3A_388 : i32
      %dma_start3A_390 = arith.constant 6 : i32
      %dma_start3A_391 = arith.constant 0 : i32
      %dma_start3A_392 = arith.constant 0 : i32
      %dma_start3A_393 = tpu.memref_slice %arg6[%dma_start3A_390, %dma_start3A_391, %dma_start3A_392] : memref<8x128x64xf32, #tpu.memory_space<vmem>> -> memref<1x128x64xf32, #tpu.memory_space<vmem>>
      %dma_start3A_394 = tpu.memref_squeeze %dma_start3A_393 : memref<1x128x64xf32, #tpu.memory_space<vmem>> -> memref<128x64xf32, #tpu.memory_space<vmem>>
      %dma_start3A_395 = arith.constant 0 : i32
      %dma_start3A_396 = tpu.memref_slice %arg4[%add3A_389, %dma_start3A_395] : memref<819200x64xf32, #tpu.memory_space<hbm>> -> memref<128x64xf32, #tpu.memory_space<hbm>>
      %dma_start3A_397 = arith.constant 0 : i32
      %dma_start3A_398 = tpu.memref_slice %arg4[%add3A_389, %dma_start3A_397] : memref<819200x64xf32, #tpu.memory_space<hbm>> -> memref<128x64xf32, #tpu.memory_space<hbm>>
      %dma_start3A_399 = arith.constant 0 : i32
      %dma_start3A_400 = arith.constant 0 : i32
      %dma_start3A_401 = tpu.memref_slice %arg6[%dma_start3A_390, %dma_start3A_399, %dma_start3A_400] : memref<8x128x64xf32, #tpu.memory_space<vmem>> -> memref<1x128x64xf32, #tpu.memory_space<vmem>>
      %dma_start3A_402 = tpu.memref_squeeze %dma_start3A_401 : memref<1x128x64xf32, #tpu.memory_space<vmem>> -> memref<128x64xf32, #tpu.memory_space<vmem>>
      tpu.enqueue_dma source(%dma_start3A_402 : memref<128x64xf32, #tpu.memory_space<vmem>>) target(%dma_start3A_398 : memref<128x64xf32, #tpu.memory_space<hbm>>) target_semaphore(%arg21 : memref<!tpu.dma_semaphore, #tpu.memory_space<semaphore_mem>>)
      %ge3A_403 = arith.constant 4 : i32
      %ge3A_404 = arith.cmpi sge, %add3A_375, %ge3A_403 : i32
      %convert_element_type3A_405 = arith.extui %ge3A_404 : i1 to i32
      %cond3A_406 = arith.constant 0 : i32
      %cond3A_407 = arith.cmpi ne, %convert_element_type3A_405, %cond3A_406 : i32
      scf.if %cond3A_407 {
        %sub3A = arith.constant 4 : i32
        %sub3A_458 = arith.subi %add3A_375, %sub3A : i32
        %mul3A_459 = arith.constant 128 : i32
        %mul3A_460 = arith.muli %sub3A_458, %mul3A_459 : i32
        %add3A_461 = arith.addi %mul3A_2, %mul3A_460 : i32
        %dma_wait3A_462 = arith.constant 2 : i32
        %dma_wait3A_463 = arith.constant 0 : i32
        %dma_wait3A_464 = arith.constant 0 : i32
        %dma_wait3A_465 = tpu.memref_slice %arg6[%dma_wait3A_462, %dma_wait3A_463, %dma_wait3A_464] : memref<8x128x64xf32, #tpu.memory_space<vmem>> -> memref<1x128x64xf32, #tpu.memory_space<vmem>>
        %dma_wait3A_466 = tpu.memref_squeeze %dma_wait3A_465 : memref<1x128x64xf32, #tpu.memory_space<vmem>> -> memref<128x64xf32, #tpu.memory_space<vmem>>
        %dma_wait3A_467 = arith.constant 0 : i32
        %dma_wait3A_468 = tpu.memref_slice %arg4[%add3A_461, %dma_wait3A_467] : memref<819200x64xf32, #tpu.memory_space<hbm>> -> memref<128x64xf32, #tpu.memory_space<hbm>>
        %dma_wait3A_469 = arith.constant 0 : i32
        %dma_wait3A_470 = tpu.memref_slice %arg4[%add3A_461, %dma_wait3A_469] : memref<819200x64xf32, #tpu.memory_space<hbm>> -> memref<128x64xf32, #tpu.memory_space<hbm>>
        %dma_wait3A_471 = arith.constant 0 : i32
        %dma_wait3A_472 = arith.constant 0 : i32
        %dma_wait3A_473 = tpu.memref_slice %arg6[%dma_wait3A_462, %dma_wait3A_471, %dma_wait3A_472] : memref<8x128x64xf32, #tpu.memory_space<vmem>> -> memref<1x128x64xf32, #tpu.memory_space<vmem>>
        %dma_wait3A_474 = tpu.memref_squeeze %dma_wait3A_473 : memref<1x128x64xf32, #tpu.memory_space<vmem>> -> memref<128x64xf32, #tpu.memory_space<vmem>>
        tpu.wait_dma2 semaphore(%arg17 : memref<!tpu.dma_semaphore, #tpu.memory_space<semaphore_mem>>) src(%dma_wait3A_474 : memref<128x64xf32, #tpu.memory_space<vmem>>) dst(%dma_wait3A_470 : memref<128x64xf32, #tpu.memory_space<hbm>>)
      } else {
      }
      %add3A_408 = arith.constant 4 : i32
      %add3A_409 = arith.addi %add3A_375, %add3A_408 : i32
      %lt3A_410 = arith.constant 200 : i32
      %lt3A_411 = arith.cmpi slt, %add3A_409, %lt3A_410 : i32
      %convert_element_type3A_412 = arith.extui %lt3A_411 : i1 to i32
      %cond3A_413 = arith.constant 0 : i32
      %cond3A_414 = arith.cmpi ne, %convert_element_type3A_412, %cond3A_413 : i32
      scf.if %cond3A_414 {
        %add3A_458 = arith.constant 4 : i32
        %add3A_459 = arith.addi %add3A_375, %add3A_458 : i32
        %dma_start3A_460 = arith.constant 2 : i32
        %dma_start3A_461 = arith.constant 0 : i32
        %dma_start3A_462 = arith.constant 0 : i32
        %dma_start3A_463 = tpu.memref_slice %arg6[%dma_start3A_460, %dma_start3A_461, %dma_start3A_462] : memref<8x128x64xf32, #tpu.memory_space<vmem>> -> memref<1x128x64xf32, #tpu.memory_space<vmem>>
        %dma_start3A_464 = tpu.memref_squeeze %dma_start3A_463 : memref<1x128x64xf32, #tpu.memory_space<vmem>> -> memref<128x64xf32, #tpu.memory_space<vmem>>
        %dma_start3A_465 = arith.constant 0 : i32
        %dma_start3A_466 = tpu.memref_slice %arg5[%add3A_459, %dma_start3A_465] : memref<200x128xi32, #tpu.memory_space<vmem>> -> memref<1x128xi32, #tpu.memory_space<vmem>>
        %dma_start3A_467 = tpu.memref_squeeze %dma_start3A_466 : memref<1x128xi32, #tpu.memory_space<vmem>> -> memref<128xi32, #tpu.memory_space<vmem>>
        %dma_start3A_468 = arith.constant 0 : i32
        %dma_start3A_469 = arith.constant 0 : i32
        %dma_start3A_470 = tpu.memref_slice %arg3[%dma_start3A_468, %dma_start3A_469] : memref<1000000x64xf32, #tpu.memory_space<hbm>> -> memref<1000000x64xf32, #tpu.memory_space<hbm>>
        tpu.enqueue_indirect_dma source(%dma_start3A_470 : memref<1000000x64xf32, #tpu.memory_space<hbm>>) target(%dma_start3A_464 : memref<128x64xf32, #tpu.memory_space<vmem>>) offsets(%dma_start3A_467 : memref<128xi32, #tpu.memory_space<vmem>>) semaphore(%arg9 : memref<!tpu.dma_semaphore, #tpu.memory_space<semaphore_mem>>)
      } else {
      }
      %mul3A_415 = arith.constant 8 : i32
      %mul3A_416 = arith.muli %add3A_117, %mul3A_415 : i32
      %add3A_417 = arith.constant 7 : i32
      %add3A_418 = arith.addi %mul3A_416, %add3A_417 : i32
      %dma_wait3A_419 = arith.constant 7 : i32
      %dma_wait3A_420 = arith.constant 0 : i32
      %dma_wait3A_421 = arith.constant 0 : i32
      %dma_wait3A_422 = tpu.memref_slice %arg6[%dma_wait3A_419, %dma_wait3A_420, %dma_wait3A_421] : memref<8x128x64xf32, #tpu.memory_space<vmem>> -> memref<1x128x64xf32, #tpu.memory_space<vmem>>
      %dma_wait3A_423 = tpu.memref_squeeze %dma_wait3A_422 : memref<1x128x64xf32, #tpu.memory_space<vmem>> -> memref<128x64xf32, #tpu.memory_space<vmem>>
      %dma_wait3A_424 = arith.constant 0 : i32
      %dma_wait3A_425 = tpu.memref_slice %arg5[%add3A_418, %dma_wait3A_424] : memref<200x128xi32, #tpu.memory_space<vmem>> -> memref<1x128xi32, #tpu.memory_space<vmem>>
      %dma_wait3A_426 = tpu.memref_squeeze %dma_wait3A_425 : memref<1x128xi32, #tpu.memory_space<vmem>> -> memref<128xi32, #tpu.memory_space<vmem>>
      %dma_wait3A_427 = arith.constant 0 : i32
      %dma_wait3A_428 = arith.constant 0 : i32
      %dma_wait3A_429 = tpu.memref_slice %arg3[%dma_wait3A_427, %dma_wait3A_428] : memref<1000000x64xf32, #tpu.memory_space<hbm>> -> memref<1000000x64xf32, #tpu.memory_space<hbm>>
      tpu.wait_indirect_dma semaphore(%arg14 : memref<!tpu.dma_semaphore, #tpu.memory_space<semaphore_mem>>) src(%dma_wait3A_429 : memref<1000000x64xf32, #tpu.memory_space<hbm>>) dst(%dma_wait3A_423 : memref<128x64xf32, #tpu.memory_space<vmem>>)
      %mul3A_430 = arith.constant 128 : i32
      %mul3A_431 = arith.muli %add3A_418, %mul3A_430 : i32
      %add3A_432 = arith.addi %mul3A_2, %mul3A_431 : i32
      %dma_start3A_433 = arith.constant 7 : i32
      %dma_start3A_434 = arith.constant 0 : i32
      %dma_start3A_435 = arith.constant 0 : i32
      %dma_start3A_436 = tpu.memref_slice %arg6[%dma_start3A_433, %dma_start3A_434, %dma_start3A_435] : memref<8x128x64xf32, #tpu.memory_space<vmem>> -> memref<1x128x64xf32, #tpu.memory_space<vmem>>
      %dma_start3A_437 = tpu.memref_squeeze %dma_start3A_436 : memref<1x128x64xf32, #tpu.memory_space<vmem>> -> memref<128x64xf32, #tpu.memory_space<vmem>>
      %dma_start3A_438 = arith.constant 0 : i32
      %dma_start3A_439 = tpu.memref_slice %arg4[%add3A_432, %dma_start3A_438] : memref<819200x64xf32, #tpu.memory_space<hbm>> -> memref<128x64xf32, #tpu.memory_space<hbm>>
      %dma_start3A_440 = arith.constant 0 : i32
      %dma_start3A_441 = tpu.memref_slice %arg4[%add3A_432, %dma_start3A_440] : memref<819200x64xf32, #tpu.memory_space<hbm>> -> memref<128x64xf32, #tpu.memory_space<hbm>>
      %dma_start3A_442 = arith.constant 0 : i32
      %dma_start3A_443 = arith.constant 0 : i32
      %dma_start3A_444 = tpu.memref_slice %arg6[%dma_start3A_433, %dma_start3A_442, %dma_start3A_443] : memref<8x128x64xf32, #tpu.memory_space<vmem>> -> memref<1x128x64xf32, #tpu.memory_space<vmem>>
      %dma_start3A_445 = tpu.memref_squeeze %dma_start3A_444 : memref<1x128x64xf32, #tpu.memory_space<vmem>> -> memref<128x64xf32, #tpu.memory_space<vmem>>
      tpu.enqueue_dma source(%dma_start3A_445 : memref<128x64xf32, #tpu.memory_space<vmem>>) target(%dma_start3A_441 : memref<128x64xf32, #tpu.memory_space<hbm>>) target_semaphore(%arg22 : memref<!tpu.dma_semaphore, #tpu.memory_space<semaphore_mem>>)
      %ge3A_446 = arith.constant 4 : i32
      %ge3A_447 = arith.cmpi sge, %add3A_418, %ge3A_446 : i32
      %convert_element_type3A_448 = arith.extui %ge3A_447 : i1 to i32
      %cond3A_449 = arith.constant 0 : i32
      %cond3A_450 = arith.cmpi ne, %convert_element_type3A_448, %cond3A_449 : i32
      scf.if %cond3A_450 {
        %sub3A = arith.constant 4 : i32
        %sub3A_458 = arith.subi %add3A_418, %sub3A : i32
        %mul3A_459 = arith.constant 128 : i32
        %mul3A_460 = arith.muli %sub3A_458, %mul3A_459 : i32
        %add3A_461 = arith.addi %mul3A_2, %mul3A_460 : i32
        %dma_wait3A_462 = arith.constant 3 : i32
        %dma_wait3A_463 = arith.constant 0 : i32
        %dma_wait3A_464 = arith.constant 0 : i32
        %dma_wait3A_465 = tpu.memref_slice %arg6[%dma_wait3A_462, %dma_wait3A_463, %dma_wait3A_464] : memref<8x128x64xf32, #tpu.memory_space<vmem>> -> memref<1x128x64xf32, #tpu.memory_space<vmem>>
        %dma_wait3A_466 = tpu.memref_squeeze %dma_wait3A_465 : memref<1x128x64xf32, #tpu.memory_space<vmem>> -> memref<128x64xf32, #tpu.memory_space<vmem>>
        %dma_wait3A_467 = arith.constant 0 : i32
        %dma_wait3A_468 = tpu.memref_slice %arg4[%add3A_461, %dma_wait3A_467] : memref<819200x64xf32, #tpu.memory_space<hbm>> -> memref<128x64xf32, #tpu.memory_space<hbm>>
        %dma_wait3A_469 = arith.constant 0 : i32
        %dma_wait3A_470 = tpu.memref_slice %arg4[%add3A_461, %dma_wait3A_469] : memref<819200x64xf32, #tpu.memory_space<hbm>> -> memref<128x64xf32, #tpu.memory_space<hbm>>
        %dma_wait3A_471 = arith.constant 0 : i32
        %dma_wait3A_472 = arith.constant 0 : i32
        %dma_wait3A_473 = tpu.memref_slice %arg6[%dma_wait3A_462, %dma_wait3A_471, %dma_wait3A_472] : memref<8x128x64xf32, #tpu.memory_space<vmem>> -> memref<1x128x64xf32, #tpu.memory_space<vmem>>
        %dma_wait3A_474 = tpu.memref_squeeze %dma_wait3A_473 : memref<1x128x64xf32, #tpu.memory_space<vmem>> -> memref<128x64xf32, #tpu.memory_space<vmem>>
        tpu.wait_dma2 semaphore(%arg18 : memref<!tpu.dma_semaphore, #tpu.memory_space<semaphore_mem>>) src(%dma_wait3A_474 : memref<128x64xf32, #tpu.memory_space<vmem>>) dst(%dma_wait3A_470 : memref<128x64xf32, #tpu.memory_space<hbm>>)
      } else {
      }
      %add3A_451 = arith.constant 4 : i32
      %add3A_452 = arith.addi %add3A_418, %add3A_451 : i32
      %lt3A_453 = arith.constant 200 : i32
      %lt3A_454 = arith.cmpi slt, %add3A_452, %lt3A_453 : i32
      %convert_element_type3A_455 = arith.extui %lt3A_454 : i1 to i32
      %cond3A_456 = arith.constant 0 : i32
      %cond3A_457 = arith.cmpi ne, %convert_element_type3A_455, %cond3A_456 : i32
      scf.if %cond3A_457 {
        %add3A_458 = arith.constant 4 : i32
        %add3A_459 = arith.addi %add3A_418, %add3A_458 : i32
        %dma_start3A_460 = arith.constant 3 : i32
        %dma_start3A_461 = arith.constant 0 : i32
        %dma_start3A_462 = arith.constant 0 : i32
        %dma_start3A_463 = tpu.memref_slice %arg6[%dma_start3A_460, %dma_start3A_461, %dma_start3A_462] : memref<8x128x64xf32, #tpu.memory_space<vmem>> -> memref<1x128x64xf32, #tpu.memory_space<vmem>>
        %dma_start3A_464 = tpu.memref_squeeze %dma_start3A_463 : memref<1x128x64xf32, #tpu.memory_space<vmem>> -> memref<128x64xf32, #tpu.memory_space<vmem>>
        %dma_start3A_465 = arith.constant 0 : i32
        %dma_start3A_466 = tpu.memref_slice %arg5[%add3A_459, %dma_start3A_465] : memref<200x128xi32, #tpu.memory_space<vmem>> -> memref<1x128xi32, #tpu.memory_space<vmem>>
        %dma_start3A_467 = tpu.memref_squeeze %dma_start3A_466 : memref<1x128xi32, #tpu.memory_space<vmem>> -> memref<128xi32, #tpu.memory_space<vmem>>
        %dma_start3A_468 = arith.constant 0 : i32
        %dma_start3A_469 = arith.constant 0 : i32
        %dma_start3A_470 = tpu.memref_slice %arg3[%dma_start3A_468, %dma_start3A_469] : memref<1000000x64xf32, #tpu.memory_space<hbm>> -> memref<1000000x64xf32, #tpu.memory_space<hbm>>
        tpu.enqueue_indirect_dma source(%dma_start3A_470 : memref<1000000x64xf32, #tpu.memory_space<hbm>>) target(%dma_start3A_464 : memref<128x64xf32, #tpu.memory_space<vmem>>) offsets(%dma_start3A_467 : memref<128xi32, #tpu.memory_space<vmem>>) semaphore(%arg10 : memref<!tpu.dma_semaphore, #tpu.memory_space<semaphore_mem>>)
      } else {
      }
    }
    %scan3A_53 = arith.constant 25 : i32
    %add3A_54 = arith.constant 25088 : i32
    %add3A_55 = arith.addi %mul3A_2, %add3A_54 : i32
    %dma_wait3A = arith.constant 4 : i32
    %dma_wait3A_56 = arith.constant 0 : i32
    %dma_wait3A_57 = arith.constant 0 : i32
    %dma_wait3A_58 = tpu.memref_slice %arg6[%dma_wait3A, %dma_wait3A_56, %dma_wait3A_57] : memref<8x128x64xf32, #tpu.memory_space<vmem>> -> memref<1x128x64xf32, #tpu.memory_space<vmem>>
    %dma_wait3A_59 = tpu.memref_squeeze %dma_wait3A_58 : memref<1x128x64xf32, #tpu.memory_space<vmem>> -> memref<128x64xf32, #tpu.memory_space<vmem>>
    %dma_wait3A_60 = arith.constant 0 : i32
    %dma_wait3A_61 = tpu.memref_slice %arg4[%add3A_55, %dma_wait3A_60] : memref<819200x64xf32, #tpu.memory_space<hbm>> -> memref<128x64xf32, #tpu.memory_space<hbm>>
    %dma_wait3A_62 = arith.constant 0 : i32
    %dma_wait3A_63 = tpu.memref_slice %arg4[%add3A_55, %dma_wait3A_62] : memref<819200x64xf32, #tpu.memory_space<hbm>> -> memref<128x64xf32, #tpu.memory_space<hbm>>
    %dma_wait3A_64 = arith.constant 0 : i32
    %dma_wait3A_65 = arith.constant 0 : i32
    %dma_wait3A_66 = tpu.memref_slice %arg6[%dma_wait3A, %dma_wait3A_64, %dma_wait3A_65] : memref<8x128x64xf32, #tpu.memory_space<vmem>> -> memref<1x128x64xf32, #tpu.memory_space<vmem>>
    %dma_wait3A_67 = tpu.memref_squeeze %dma_wait3A_66 : memref<1x128x64xf32, #tpu.memory_space<vmem>> -> memref<128x64xf32, #tpu.memory_space<vmem>>
    tpu.wait_dma2 semaphore(%arg19 : memref<!tpu.dma_semaphore, #tpu.memory_space<semaphore_mem>>) src(%dma_wait3A_67 : memref<128x64xf32, #tpu.memory_space<vmem>>) dst(%dma_wait3A_63 : memref<128x64xf32, #tpu.memory_space<hbm>>)
    %add3A_68 = arith.constant 25216 : i32
    %add3A_69 = arith.addi %mul3A_2, %add3A_68 : i32
    %dma_wait3A_70 = arith.constant 5 : i32
    %dma_wait3A_71 = arith.constant 0 : i32
    %dma_wait3A_72 = arith.constant 0 : i32
    %dma_wait3A_73 = tpu.memref_slice %arg6[%dma_wait3A_70, %dma_wait3A_71, %dma_wait3A_72] : memref<8x128x64xf32, #tpu.memory_space<vmem>> -> memref<1x128x64xf32, #tpu.memory_space<vmem>>
    %dma_wait3A_74 = tpu.memref_squeeze %dma_wait3A_73 : memref<1x128x64xf32, #tpu.memory_space<vmem>> -> memref<128x64xf32, #tpu.memory_space<vmem>>
    %dma_wait3A_75 = arith.constant 0 : i32
    %dma_wait3A_76 = tpu.memref_slice %arg4[%add3A_69, %dma_wait3A_75] : memref<819200x64xf32, #tpu.memory_space<hbm>> -> memref<128x64xf32, #tpu.memory_space<hbm>>
    %dma_wait3A_77 = arith.constant 0 : i32
    %dma_wait3A_78 = tpu.memref_slice %arg4[%add3A_69, %dma_wait3A_77] : memref<819200x64xf32, #tpu.memory_space<hbm>> -> memref<128x64xf32, #tpu.memory_space<hbm>>
    %dma_wait3A_79 = arith.constant 0 : i32
    %dma_wait3A_80 = arith.constant 0 : i32
    %dma_wait3A_81 = tpu.memref_slice %arg6[%dma_wait3A_70, %dma_wait3A_79, %dma_wait3A_80] : memref<8x128x64xf32, #tpu.memory_space<vmem>> -> memref<1x128x64xf32, #tpu.memory_space<vmem>>
    %dma_wait3A_82 = tpu.memref_squeeze %dma_wait3A_81 : memref<1x128x64xf32, #tpu.memory_space<vmem>> -> memref<128x64xf32, #tpu.memory_space<vmem>>
    tpu.wait_dma2 semaphore(%arg20 : memref<!tpu.dma_semaphore, #tpu.memory_space<semaphore_mem>>) src(%dma_wait3A_82 : memref<128x64xf32, #tpu.memory_space<vmem>>) dst(%dma_wait3A_78 : memref<128x64xf32, #tpu.memory_space<hbm>>)
    %add3A_83 = arith.constant 25344 : i32
    %add3A_84 = arith.addi %mul3A_2, %add3A_83 : i32
    %dma_wait3A_85 = arith.constant 6 : i32
    %dma_wait3A_86 = arith.constant 0 : i32
    %dma_wait3A_87 = arith.constant 0 : i32
    %dma_wait3A_88 = tpu.memref_slice %arg6[%dma_wait3A_85, %dma_wait3A_86, %dma_wait3A_87] : memref<8x128x64xf32, #tpu.memory_space<vmem>> -> memref<1x128x64xf32, #tpu.memory_space<vmem>>
    %dma_wait3A_89 = tpu.memref_squeeze %dma_wait3A_88 : memref<1x128x64xf32, #tpu.memory_space<vmem>> -> memref<128x64xf32, #tpu.memory_space<vmem>>
    %dma_wait3A_90 = arith.constant 0 : i32
    %dma_wait3A_91 = tpu.memref_slice %arg4[%add3A_84, %dma_wait3A_90] : memref<819200x64xf32, #tpu.memory_space<hbm>> -> memref<128x64xf32, #tpu.memory_space<hbm>>
    %dma_wait3A_92 = arith.constant 0 : i32
    %dma_wait3A_93 = tpu.memref_slice %arg4[%add3A_84, %dma_wait3A_92] : memref<819200x64xf32, #tpu.memory_space<hbm>> -> memref<128x64xf32, #tpu.memory_space<hbm>>
    %dma_wait3A_94 = arith.constant 0 : i32
    %dma_wait3A_95 = arith.constant 0 : i32
    %dma_wait3A_96 = tpu.memref_slice %arg6[%dma_wait3A_85, %dma_wait3A_94, %dma_wait3A_95] : memref<8x128x64xf32, #tpu.memory_space<vmem>> -> memref<1x128x64xf32, #tpu.memory_space<vmem>>
    %dma_wait3A_97 = tpu.memref_squeeze %dma_wait3A_96 : memref<1x128x64xf32, #tpu.memory_space<vmem>> -> memref<128x64xf32, #tpu.memory_space<vmem>>
    tpu.wait_dma2 semaphore(%arg21 : memref<!tpu.dma_semaphore, #tpu.memory_space<semaphore_mem>>) src(%dma_wait3A_97 : memref<128x64xf32, #tpu.memory_space<vmem>>) dst(%dma_wait3A_93 : memref<128x64xf32, #tpu.memory_space<hbm>>)
    %add3A_98 = arith.constant 25472 : i32
    %add3A_99 = arith.addi %mul3A_2, %add3A_98 : i32
    %dma_wait3A_100 = arith.constant 7 : i32
    %dma_wait3A_101 = arith.constant 0 : i32
    %dma_wait3A_102 = arith.constant 0 : i32
    %dma_wait3A_103 = tpu.memref_slice %arg6[%dma_wait3A_100, %dma_wait3A_101, %dma_wait3A_102] : memref<8x128x64xf32, #tpu.memory_space<vmem>> -> memref<1x128x64xf32, #tpu.memory_space<vmem>>
    %dma_wait3A_104 = tpu.memref_squeeze %dma_wait3A_103 : memref<1x128x64xf32, #tpu.memory_space<vmem>> -> memref<128x64xf32, #tpu.memory_space<vmem>>
    %dma_wait3A_105 = arith.constant 0 : i32
    %dma_wait3A_106 = tpu.memref_slice %arg4[%add3A_99, %dma_wait3A_105] : memref<819200x64xf32, #tpu.memory_space<hbm>> -> memref<128x64xf32, #tpu.memory_space<hbm>>
    %dma_wait3A_107 = arith.constant 0 : i32
    %dma_wait3A_108 = tpu.memref_slice %arg4[%add3A_99, %dma_wait3A_107] : memref<819200x64xf32, #tpu.memory_space<hbm>> -> memref<128x64xf32, #tpu.memory_space<hbm>>
    %dma_wait3A_109 = arith.constant 0 : i32
    %dma_wait3A_110 = arith.constant 0 : i32
    %dma_wait3A_111 = tpu.memref_slice %arg6[%dma_wait3A_100, %dma_wait3A_109, %dma_wait3A_110] : memref<8x128x64xf32, #tpu.memory_space<vmem>> -> memref<1x128x64xf32, #tpu.memory_space<vmem>>
    %dma_wait3A_112 = tpu.memref_squeeze %dma_wait3A_111 : memref<1x128x64xf32, #tpu.memory_space<vmem>> -> memref<128x64xf32, #tpu.memory_space<vmem>>
    tpu.wait_dma2 semaphore(%arg22 : memref<!tpu.dma_semaphore, #tpu.memory_space<semaphore_mem>>) src(%dma_wait3A_112 : memref<128x64xf32, #tpu.memory_space<vmem>>) dst(%dma_wait3A_108 : memref<128x64xf32, #tpu.memory_space<hbm>>)
    return
  }
}

</mosaic_0001>

<sc_bundles>
// kernel: kernel.3.cloned.1.call-start
scs
__scs_entry_jumppad:
0x0: {  	(pc) =	sbr.rel $0x88, $3  }
0x1: {  	(tag) =	ssettag $0x0;
	lr =	simm.s32 $0x1  }
0x2: {  	[smem:$0x3F9F] =	sst lr;
	_ =	strace $0xD0000000  }
0x3: {  	_ = 	snop  }
0x4: {  	_ = 	snop  }
0x5: {  	_ = 	snop  }
0x6: {  	_ = 	snop  }
0x7: {  	_ = 	snop  }
__scs_overlays_trampoline_lowered:
0x8: {  	[smem:$0x3FAE] =	sst s0  }
0x9: {  	[smem:$0x3FAF] =	sst s1  }
0xa: {  	[smem:$0x3FB0] =	sst s2  }
0xb: {  	[smem:$0x3FB1] =	sst s3  }
0xc: {  	[smem:$0x3FB2] =	sst s4  }
0xd: {  	[smem:$0x3FB3] =	sst s5  }
0xe: {  	[smem:$0x3FB4] =	sst s6  }
0xf: {  	[smem:$0x3FB5] =	sst s7  }
0x10: {  	[smem:$0x3FB6] =	sst s8  }
0x11: {  	[smem:$0x3FB7] =	sst s9;
	s0 =	simm.s32 @!p0 $0x0  }
0x12: {  	s1 =	sld [smem:$0x3F9D];
	s0 =	simm.s32 @p0 $0x1  }
0x13: {  	[smem:$0x3FB8] =	sst s0;
	s0 =	simm.s32 @!p1 $0x0  }
0x14: {  	s2 =	sld [smem:$0x3F9C];
	s0 =	simm.s32 @p1 $0x1  }
0x15: {  	[smem:$0x3FB9] =	sst s0;
	s0 =	simm.s32 @!p2 $0x0  }
0x16: {  	s3 =	sld [smem:$0x3FDB];
	s0 =	simm.s32 @p2 $0x1  }
0x17: {  	s4 =	simm.s32 $0x1BF5;
	[smem:$0x3FBB] =	sst s0  }
0x18: {  	s0 =	sld [smem:$0x3F9E];
	_ =	swait.ge [sflag:s4], $0x0  }
0x19: {  	s7 =	sld [smem:$0x3F9F]  }
0x1a: {  	s8 =	sadd.s32 $0xFFFFE003, lr  }
0x1b: {  	s9 =	sadd.s32 $0xFFFFFEF7, lr;
	s5 =	simm.s32 $0xFFFFFFFF;
	p2 =	slt.u32 s8, $0xFFFFF086  }
0x1c: {  	p1 =	slt.u32 s9, $0xF7A;
	s5 =	simm.s32 @!p2 $0x0  }
0x1d: {  	s5 =	simm.s32 @p1 $0x1;
	p0 =	seq.s32 s7, s2  }
0x1e: {  	s7 =	smul.u32 @!p0 $0xF7A, s2;
	p2 =	seq.s32 @!p0 s5, $0x0  }
0x1f: {  	s9 =	smul.u32 $0xF7A, s1;
	s8 =	simm.s32 @!p0 $0x1BF5;
	p2 =	por !p2, p0  }
0x20: {  	[sflag:s8] =	ssyncset.s32 @!p0 $0xFFFFF086;
	s6 =	sadd.s32 @!p0 s3, s7;
	s7 =	simm.s32 @!p0 $0x108  }
0x21: {  	s3 =	sadd.s32 s3, s9;
	s6 =	sadd.s32 @!p0 $0x88, s6;
	s7 =	simm.s32 @p2 $0x1082  }
0x22: {  	[simem:s7], [sflag:s8] =	dma.local @!p0 [hbm:s6], $0xF7A  }
0x23: {  	s9 =	sor.u32 $0xD0000000, s2;
	s6 =	simm.s32 $0x108;
	_ =	swait.ge @!p0 [sflag:s8], $0x0  }
0x24: {  	s3 =	sadd.s32 $0x88, s3;
	s6 =	simm.s32 @!p1 $0x1082;
	[sflag:s4] =	ssyncset.s32 $0xFFFFF086  }
0x25: {  	[simem:s6], [sflag:s4] =	dma.local [hbm:s3], $0xF7A  }
0x26: {  	[smem:$0x3F9F] =	sst s1;
	(tag) =	ssettag s2;
	_ =	strace s9  }
0x27: {  	s1 =	sld [smem:$0x3FAF]  }
0x28: {  	s2 =	sld [smem:$0x3FB0]  }
0x29: {  	s4 =	sld [smem:$0x3FB2]  }
0x2a: {  	p0 =	seq.s32 s5, $0x0;
	s5 =	sld [smem:$0x3FB3]  }
0x2b: {  	s6 =	sld [smem:$0x3FB4]  }
0x2c: {  	s7 =	sld [smem:$0x3FB5]  }
0x2d: {  	s3 =	simm.s32 $0x108;
	s8 =	sld [smem:$0x3FB6]  }
0x2e: {  	s3 =	simm.s32 @!p0 $0x1082;
	s9 =	sld [smem:$0x3FB7]  }
0x2f: {  	lr =	sadd.s32 s0, s3;
	s0 =	sld [smem:$0x3FAE]  }
0x30: {  	s3 =	sld [smem:$0x3FB1]  }
0x31: {  	[smem:$0x3FBA] =	sst s10  }
0x32: {  	s10 =	sld [smem:$0x3FB8];
	_ =	sdelay $0x3  }
0x33: {  	p0 =	seq.s32 s10, $0x1;
	s10 =	sld [smem:$0x3FBA];
	_ =	sdelay $0x3  }
0x34: {  	[smem:$0x3FBA] =	sst s10  }
0x35: {  	s10 =	sld [smem:$0x3FB9];
	_ =	sdelay $0x3  }
0x36: {  	p1 =	seq.s32 s10, $0x1;
	s10 =	sld [smem:$0x3FBA];
	_ =	sdelay $0x3  }
0x37: {  	[smem:$0x3FBA] =	sst s10  }
0x38: {  	s10 =	sld [smem:$0x3FBB]  }
0x39: {  	_ = 	snop;
	(pc) =	sbr.ind lr, $3  }
0x3a: {  	_ = 	snop  }
0x3b: {  	_ = 	snop  }
0x3c: {  	p2 =	seq.s32 s10, $0x1;
	s10 =	sld [smem:$0x3FBA]  }
0x3d: {  	_ =	shalt  }
0x3e: {  	_ =	shalt  }
0x3f: {  	_ =	shalt  }
0x40: {  	_ =	shalt  }
0x41: {  	_ =	shalt  }
0x42: {  	_ =	shalt  }
0x43: {  	_ =	shalt  }
0x44: {  	_ =	shalt  }
0x45: {  	_ =	shalt  }
0x46: {  	_ =	shalt  }
0x47: {  	_ =	shalt  }
0x48: {  	_ =	shalt  }
0x49: {  	_ =	shalt  }
0x4a: {  	_ =	shalt  }
0x4b: {  	_ =	shalt  }
0x4c: {  	_ =	shalt  }
0x4d: {  	_ =	shalt  }
0x4e: {  	_ =	shalt  }
0x4f: {  	_ =	shalt  }
0x50: {  	_ =	shalt  }
0x51: {  	_ =	shalt  }
0x52: {  	_ =	shalt  }
0x53: {  	_ =	shalt  }
0x54: {  	_ =	shalt  }
0x55: {  	_ =	shalt  }
0x56: {  	_ =	shalt  }
0x57: {  	_ =	shalt  }
0x58: {  	_ =	shalt  }
0x59: {  	_ =	shalt  }
0x5a: {  	_ =	shalt  }
0x5b: {  	_ =	shalt  }
0x5c: {  	_ =	shalt  }
0x5d: {  	_ =	shalt  }
0x5e: {  	_ =	shalt  }
0x5f: {  	_ =	shalt  }
0x60: {  	_ =	shalt  }
0x61: {  	_ =	shalt  }
0x62: {  	_ =	shalt  }
0x63: {  	_ =	shalt  }
0x64: {  	_ =	shalt  }
0x65: {  	_ =	shalt  }
0x66: {  	_ =	shalt  }
0x67: {  	_ =	shalt  }
0x68: {  	_ =	shalt  }
0x69: {  	_ =	shalt  }
0x6a: {  	_ =	shalt  }
0x6b: {  	_ =	shalt  }
0x6c: {  	_ =	shalt  }
0x6d: {  	_ =	shalt  }
0x6e: {  	_ =	shalt  }
0x6f: {  	_ =	shalt  }
0x70: {  	_ =	shalt  }
0x71: {  	_ =	shalt  }
0x72: {  	_ =	shalt  }
0x73: {  	_ =	shalt  }
0x74: {  	_ =	shalt  }
0x75: {  	_ =	shalt  }
0x76: {  	_ =	shalt  }
0x77: {  	_ =	shalt  }
0x78: {  	_ =	shalt  }
0x79: {  	_ =	shalt  }
0x7a: {  	_ =	shalt  }
0x7b: {  	_ =	shalt  }
0x7c: {  	_ =	shalt  }
0x7d: {  	_ =	shalt  }
0x7e: {  	_ =	shalt  }
0x7f: {  	_ =	shalt  }
0x80: {  	_ =	shalt  }
0x81: {  	_ =	shalt  }
0x82: {  	_ =	shalt  }
0x83: {  	_ =	shalt  }
0x84: {  	_ =	shalt  }
0x85: {  	_ =	shalt  }
0x86: {  	_ =	shalt  }
0x87: {  	_ =	shalt  }
.Lfunc_end0:
.L_simem_size_0:
called_computation.1_lowered:
.L_overlay_start_0:
0x88: {  	s2 =	sld [smem:$0x3FD9]  }
0x89: {  	s3 =	sld [smem:$0x3FFE];
	_ =	sdelay $0x1  }
0x8a: {  	s1 =	srdreg.scid  }
0x8b: {  	s0 =	sand.u32 $0x1, s1  }
0x8c: {  	s17 =	sshll.u32 s0, $0xA;
	s2 =	sadd.s32 s3, s2  }
0x8d: {  	s2 =	sadd.s32 s2, s17  }
0x8e: {  	[smem:$0x3FC6] =	sst s2  }
0x8f: {  	_ = 	snop  }
0x90: {  	s2 =	sld [smem:$0x3FD0];
	(tm) =	ssettm $0x1  }
0x91: {  	s18 =	sld [smem:$0x3FFB];
	_ =	sdelay $0x3  }
0x92: {  	_ =	strace s18  }
0x93: {  	s3 =	sld [smem:$0x3FFC];
	_ =	sdelay $0x3  }
0x94: {  	_ =	strace s3  }
0x95: {  	s3 =	sld [smem:$0x3FFD];
	_ =	sdelay $0x3  }
0x96: {  	_ =	strace s3  }
0x97: {  	_ =	strace $0x8FFFFFFF  }
0x98: {  	s19 =	sld [smem:$0x3FDB];
	_ =	sdelay $0x1  }
0x99: {  	s4 =	simm.s32 $_scs_section_size  }
0x9a: {  	s5 =	simm.s32 $_size__tile_overlayer_lowered;
	s6 =	simm.s32 $_tile_overlayer_lowered  }
0x9b: {  	s22 =	simm.s32 $0x1BFF;
	s21 =	sshll.u32 s6, $0x1;
	s3 =	sadd.s32 s4, s19  }
0x9c: {  	s7 =	simm.s32 $0x0;
	s20 =	sshll.u32 s5, $0x1;
	s5 =	sadd.s32 s21, s3  }
0x9d: {  	[timem:s7], [sflag:s22] =	dma.local [hbm:s5], s20  }
0x9e: {  	_ =	swait.ge [sflag:s22], s20  }
0x9f: {  	s4 =	ssub.s32 $0x0, s20;
	[sflag:s22] =	ssyncset.done $0x0  }
0xa0: {  	[sflag:s22] =	ssyncadd.s32 s4;
	_ =	sdelay $0x1  }
0xa1: {  	s23 =	simm.s32 $0x1B8B  }
0xa2: {  	_ =	swait.ge [sflag:s23], $0x1  }
0xa3: {  	[sflag:s23] =	ssyncset.done $0x0  }
0xa4: {  	s25 =	simm.s32 $0x1B8E;
	s24 =	sld [smem:$0x3FFE];
	[sflag:s23] =	ssyncadd.s32 $0xFFFFFFFF  }
0xa5: {  	s26 =	simm.s32 $execute0_lowered;
	[smem:$0x3FD2] =	sst s25  }
0xa6: {  	s5 =	sshll.u32 s26, $0x1;
	_ =	strace $0x80000046;
	[dreg:$0x1] =	wrdreg $0xFFFFFFFF  }
0xa7: {  	s28 =	simm.s32 $_size_execute0_lowered;
	s3 =	sadd.s32 s3, s5;
	[dreg:$0x0] =	wrdreg $0x0  }
0xa8: {  	s5 =	sshll.u32 s28, $0x1;
	[dreg:$0x2] =	wrdreg s3  }
0xa9: {  	[dreg:$0x3] =	wrdreg s5  }
0xaa: {  	[dreg:$0x4] =	wrdreg $0xC0  }
0xab: {  	_ =	task [dreg:s7], $0x5FFFF  }
0xac: {  	[dreg:$0x1] =	wrdreg $0xFFFFFFFF  }
0xad: {  	[dreg:$0x0] =	wrdreg $0x60  }
0xae: {  	[dreg:$0x2] =	wrdreg s24  }
0xaf: {  	[dreg:$0x3] =	wrdreg s2  }
0xb0: {  	[dreg:$0x4] =	wrdreg $0x9  }
0xb1: {  	_ =	task.clear_ibuf [dreg:s7], $0x5FFFF;
	_ =	strace $0x90000046  }
0xb2: {  	s29 =	simm.s32 $0x9;
	_ =	strace $0x80000048  }
0xb3: {  	_ =	swait.ge [sflag:s29], $0x1  }
0xb4: {  	[sflag:s29] =	ssyncadd.s32 $0xFFFFFFFF  }
0xb5: {  	_ =	strace $0x90000048  }
0xb6: {  	_ =	sfence  }
0xb7: {  	s30 =	sld [smem:$0x0];
	_ =	sdelay $0x2  }
0xb8: {  	s31 =	sshll.u32 s1, $0xD;
	s1 =	sshrl.u32 s1, $0x2  }
0xb9: {  	s3 =	sand.u32 $0x4000, s31;
	s1 =	sadd.s32 s1, s30  }
0xba: {  	s0 =	sor.u32 s3, s0;
	s1 =	sshll.u32 s1, $0x11  }
0xbb: {  	s0 =	sor.u32 s1, s0  }
0xbc: {  	s0 =	sadd.s32 $0x8F2B, s0  }
0xbd: {  	[sflag:s0] =	ssyncadd.remote.s32 $0x1  }
0xbe: {  	_ =	sfence.sel $0xFFFF  }
0xbf: {  	[dreg:$0x0] =	wrdreg $0xFFFFFFFF;
	(pc) =	sbr.abs _section_cstart, $3  }
0xc0: {  	[dreg:$0x1] =	wrdreg $0xFFFFFFFF  }
0xc1: {  	_ =	task.clear_ibuf [dreg:s7], $0x2FFFF;
	_ =	strace $0x9FFFFFFF  }
0xc2: {  	(tm) =	ssettm $0x7FFFFFFF  }
0xc3: {  	_ =	shalt  }
tec
execute0_lowered:
.L_overlay_start_1:
0x0: {  	(tag) =	ssettag $0x1  }
0x1: {  	s0 =	srdreg.scid  }
0x2: {  	s4 =	stileid.u32;
	s1 =	rddreg [dreg:$0x0];
	s3 =	simm.s32 $0x0  }
0x3: {  	s16 =	simm.s32 $0x80;
	s28 =	simm.s32 $0x3;
	s29 =	simm.s32 $0x12400  }
0x4: {  	s30 =	simm.s32 $0x4;
	s31 =	simm.s32 $0x14400;
	s15 =	simm.s32 $0xC  }
0x5: {  	s0 =	sand.u32 $0x1, s0;
	s2 =	sshll.u32 s4, $0x1;
	s5 =	smul.u32 $0x320000, s4  }
0x6: {  	s2 =	sor.u32 s0, s2;
	s6 =	ssub.s32 $0x2, s0;
	s0 =	smul.u32 $0x190000, s0  }
0x7: {  	s9 =	simm.s32 $0x0;
	[smem:$0x7FF] =	sst s3;
	s2 =	smul.u32 $0xC80, s2  }
0x8: {  	s4 =	sadd.s32 $0xF42E00, s1;
	_ =	strace $0x80000047;
	s18 =	sshrl.u32 s6, $0x1  }
0x9: {  	s0 =	sadd.s32 s0, s5;
	s5 =	simm.s32 $0xB;
	s2 =	sadd.s32 s2, s1  }
0xa: {  	s1 =	ssub.s32 s6, s18;
	s19 =	sor.u32 $0x6000, s0;
	s20 =	sor.u32 $0x4000, s0  }
0xb: {  	s22 =	sor.u32 $0x2000, s0;
	s23 =	sshrl.u32 s0, $0x3;
	s24 =	sor.u32 $0xE000, s0  }
0xc: {  	s25 =	sor.u32 $0xC000, s0;
	s26 =	sor.u32 $0xA000, s0;
	s0 =	sor.u32 $0x8000, s0  }
0xd: {  	s6 =	simm.s32 $0x8;
	s2 =	sadd.s32 $0xA00, s2;
	s1 =	smax.u32 s1, $0x1  }
0xe: {  	s21 =	sshrl.u32 s20, $0x3;
	[dreg:$0x8] =	wrdreg s23;
	s11 =	sshrl.u32 s24, $0x3  }
0xf: {  	s12 =	sshrl.u32 s25, $0x3;
	s13 =	sshrl.u32 s26, $0x3;
	s14 =	sshrl.u32 s0, $0x3  }
0x10: {  	s23 =	simm.s32 $0x1;
	s24 =	simm.s32 $0xE400;
	s25 =	simm.s32 $0x2  }
.Ltmp0:
0x11: {  	s26 =	simm.s32 $0x10400;
	[dreg:$0x3] =	wrdreg s2;
	(pc) =	sbr.rel .LBB2_1-.Ltmp0, $4  }
0x12: {  	s0 =	simm.s32 $0x9;
	[dreg:$0x4] =	wrdreg s1;
	s1 =	sshrl.u32 s19, $0x3  }
0x13: {  	[dreg:$0x6] =	wrdreg s21;
	s2 =	simm.s32 $0x6;
	s19 =	simm.s32 $0xA  }
0x14: {  	s21 =	simm.s32 $0x7;
	[dreg:$0x5] =	wrdreg s1;
	s1 =	sshrl.u32 s22, $0x3  }
0x15: {  	s22 =	simm.s32 $0xC400;
	[dreg:$0x7] =	wrdreg s1;
	s1 =	simm.s32 $0x5  }
.LBB2_4:
0x16: {  	s7 =	simm.s32 $0xD  }
0x17: {  	_ =	swait.ge [sflag:s7], $0x2000  }
0x18: {  	[sflag:s7] =	ssyncset.done $0x0  }
0x19: {  	s17 =	simm.s32 $0xE;
	[sflag:s7] =	ssyncadd.s32 $0xFFFFE000  }
0x1a: {  	_ =	swait.ge [sflag:s17], $0x2000  }
0x1b: {  	[sflag:s17] =	ssyncset.done $0x0  }
0x1c: {  	s18 =	simm.s32 $0xF;
	[sflag:s17] =	ssyncadd.s32 $0xFFFFE000  }
0x1d: {  	_ =	swait.ge [sflag:s18], $0x2000  }
0x1e: {  	[sflag:s18] =	ssyncset.done $0x0  }
0x1f: {  	s8 =	simm.s32 $0x10;
	[sflag:s18] =	ssyncadd.s32 $0xFFFFE000  }
0x20: {  	_ =	swait.ge [sflag:s8], $0x2000  }
0x21: {  	s9 =	rddreg [dreg:$0x9]  }
0x22: {  	s20 =	rddreg [dreg:$0x4];
	s9 =	sadd.s32 $0x1, s9  }
0x23: {  	p0 =	sne.s32 s9, s20  }
.Ltmp1:
0x24: {  	_ = 	snop;
	(pc) =	sbr.rel @!p0 .LBB2_5-.Ltmp1, $3  }
0x25: {  	_ =	sdelay $0x1  }
0x26: {  	[sflag:s8] =	ssyncset.done $0x0  }
0x27: {  	[sflag:s8] =	ssyncadd.s32 $0xFFFFE000  }
.LBB2_1:
0x28: {  	[dreg:$0x9] =	wrdreg s9  }
0x29: {  	s7 =	rddreg [dreg:$0x3];
	s9 =	simm.s32 $0x11  }
0x2a: {  	[tilespmem:s3], [sflag:$0x11] =	stream.linear.gather [hbm4b:s7+s3], $0x6400, $0x38;
	[tilespmem:$0x16400] =	vst v63  }
0x2b: {  	_ =	swait.ge [sflag:s9], $0x6400  }
0x2c: {  	[sflag:s9] =	ssyncset.done $0x0  }
0x2d: {  	s10 =	simm.s32 $0x6400;
	[sflag:s9] =	ssyncadd.s32 $0xFFFF9C00  }
0x2e: {  	[tilespmem:s10], [sflag:$0x1] =	stream.indirect.gather [hbm4b:s4+s16], $0x40, s3, s16, $0xb8;
	[tilespmem:$0x16400] =	vst v63  }
0x2f: {  	s17 =	simm.s32 $0x8400  }
0x30: {  	[tilespmem:s17], [sflag:$0x2] =	stream.indirect.gather [hbm4b:s4+s16], $0x40, s16, s16, $0xb8;
	[tilespmem:$0x16400] =	vst v63  }
0x31: {  	s18 =	simm.s32 $0x100;
	s8 =	simm.s32 $0xA400  }
0x32: {  	[tilespmem:s8], [sflag:$0x3] =	stream.indirect.gather [hbm4b:s4+s16], $0x40, s18, s16, $0xb8;
	[tilespmem:$0x16400] =	vst v63  }
0x33: {  	s20 =	simm.s32 $0x180;
	s17 =	rddreg [dreg:$0x1];
	s18 =	simm.s32 $0x0  }
0x34: {  	[tilespmem:s22], [sflag:$0x4] =	stream.indirect.gather [hbm4b:s4+s16], $0x40, s20, s16, $0xb8;
	[tilespmem:$0x16400] =	vst v63  }
.LBB2_2:
0x35: {  	_ =	swait.ge [sflag:s23], $0x2000;
	s8 =	simm.s32 $0x6400  }
0x36: {  	p0 =	seq.s32 s18, $0x0;
	[sflag:s23] =	ssyncset.done $0x0;
	s7 =	rddreg [dreg:$0x8]  }
0x37: {  	[sflag:s23] =	ssyncadd.s32 $0xFFFFE000;
	s20 =	sadd.s32 s17, s7;
	s7 =	simm.s32 @!p0 $0xD  }
0x38: {  	[hbm4b:s20+s3] =	stream.linear.scatter [tilespmem:s8], [sflag:$0x9], $0x2000, $0x38;
	[tilespmem:$0x16400] =	vst v63  }
0x39: {  	_ =	swait.ge @!p0 [sflag:s7], $0x2000  }
0x3a: {  	s20 =	sshra.s32 s18, $0x2;
	[sflag:s7] =	ssyncset.done @!p0 $0x0  }
0x3b: {  	s9 =	sadd.s32 $0x200, s20;
	[sflag:s7] =	ssyncadd.s32 @!p0 $0xFFFFE000  }
0x3c: {  	[tilespmem:s24], [sflag:$0x5] =	stream.indirect.gather [hbm4b:s4+s16], $0x40, s9, s16, $0xb8;
	[tilespmem:$0x16400] =	vst v63  }
0x3d: {  	_ =	swait.ge [sflag:s25], $0x2000  }
0x3e: {  	[sflag:s25] =	ssyncset.done $0x0;
	s10 =	rddreg [dreg:$0x7]  }
0x3f: {  	s8 =	simm.s32 $0x8400;
	[sflag:s25] =	ssyncadd.s32 $0xFFFFE000;
	s7 =	sadd.s32 s17, s10  }
0x40: {  	[hbm4b:s7+s3] =	stream.linear.scatter [tilespmem:s8], [sflag:$0xA], $0x2000, $0x38;
	[tilespmem:$0x16400] =	vst v63  }
0x41: {  	s7 =	simm.s32 @!p0 $0xE  }
0x42: {  	_ =	swait.ge @!p0 [sflag:s7], $0x2000  }
0x43: {  	[sflag:s7] =	ssyncset.done @!p0 $0x0  }
0x44: {  	s8 =	sadd.s32 $0x280, s20;
	[sflag:s7] =	ssyncadd.s32 @!p0 $0xFFFFE000  }
0x45: {  	[tilespmem:s26], [sflag:$0x6] =	stream.indirect.gather [hbm4b:s4+s16], $0x40, s8, s16, $0xb8;
	[tilespmem:$0x16400] =	vst v63  }
0x46: {  	_ =	swait.ge [sflag:s28], $0x2000  }
0x47: {  	[sflag:s28] =	ssyncset.done $0x0;
	s9 =	rddreg [dreg:$0x6]  }
0x48: {  	s10 =	simm.s32 $0xA400;
	[sflag:s28] =	ssyncadd.s32 $0xFFFFE000;
	s7 =	sadd.s32 s17, s9  }
0x49: {  	[hbm4b:s7+s3] =	stream.linear.scatter [tilespmem:s10], [sflag:$0xB], $0x2000, $0x38;
	[tilespmem:$0x16400] =	vst v63  }
0x4a: {  	s7 =	simm.s32 @!p0 $0xF  }
0x4b: {  	_ =	swait.ge @!p0 [sflag:s7], $0x2000  }
0x4c: {  	[sflag:s7] =	ssyncset.done @!p0 $0x0  }
0x4d: {  	s9 =	sadd.s32 $0x300, s20;
	[sflag:s7] =	ssyncadd.s32 @!p0 $0xFFFFE000  }
0x4e: {  	[tilespmem:s29], [sflag:$0x7] =	stream.indirect.gather [hbm4b:s4+s16], $0x40, s9, s16, $0xb8;
	[tilespmem:$0x16400] =	vst v63  }
0x4f: {  	_ =	swait.ge [sflag:s30], $0x2000  }
0x50: {  	[sflag:s30] =	ssyncset.done $0x0;
	s10 =	rddreg [dreg:$0x5]  }
0x51: {  	[sflag:s30] =	ssyncadd.s32 $0xFFFFE000;
	s7 =	sadd.s32 s17, s10  }
0x52: {  	[hbm4b:s7+s3] =	stream.linear.scatter [tilespmem:s22], [sflag:$0xC], $0x2000, $0x38;
	[tilespmem:$0x16400] =	vst v63  }
0x53: {  	s7 =	simm.s32 @!p0 $0x10  }
0x54: {  	_ =	swait.ge @!p0 [sflag:s7], $0x2000  }
0x55: {  	[sflag:s7] =	ssyncset.done @!p0 $0x0  }
0x56: {  	s8 =	sadd.s32 $0x380, s20;
	[sflag:s7] =	ssyncadd.s32 @!p0 $0xFFFFE000  }
0x57: {  	[tilespmem:s31], [sflag:$0x8] =	stream.indirect.gather [hbm4b:s4+s16], $0x40, s8, s16, $0xb8;
	[tilespmem:$0x16400] =	vst v63  }
0x58: {  	_ =	swait.ge [sflag:s1], $0x2000  }
0x59: {  	[sflag:s1] =	ssyncset.done $0x0  }
0x5a: {  	s9 =	sadd.s32 s17, s14;
	[sflag:s1] =	ssyncadd.s32 $0xFFFFE000  }
0x5b: {  	[hbm4b:s9+s3] =	stream.linear.scatter [tilespmem:s24], [sflag:$0xD], $0x2000, $0x38;
	[tilespmem:$0x16400] =	vst v63  }
0x5c: {  	p0 =	seq.s32 s18, $0x18000;
	_ =	swait.ge [sflag:s0], $0x2000  }
0x5d: {  	s7 =	sshra.s32 @!p0 s18, $0x2;
	s10 =	simm.s32 @!p0 $0x6400;
	[sflag:s0] =	ssyncset.done $0x0  }
0x5e: {  	s8 =	sadd.s32 @!p0 $0x400, s7;
	s9 =	simm.s32 @!p0 $0x80;
	[sflag:s0] =	ssyncadd.s32 $0xFFFFE000  }
0x5f: {  	[tilespmem:s10], [sflag:$0x1] =	stream.indirect.gather @!p0 [hbm4b:s4+s9], $0x40, s8, s9, $0xb8;
	[tilespmem:$0x16400] =	vst v63  }
0x60: {  	_ =	swait.ge [sflag:s2], $0x2000  }
0x61: {  	[sflag:s2] =	ssyncset.done $0x0  }
0x62: {  	s10 =	sadd.s32 s17, s13;
	[sflag:s2] =	ssyncadd.s32 $0xFFFFE000  }
0x63: {  	[hbm4b:s10+s3] =	stream.linear.scatter [tilespmem:s26], [sflag:$0xE], $0x2000, $0x38;
	[tilespmem:$0x16400] =	vst v63  }
0x64: {  	_ =	swait.ge [sflag:s19], $0x2000  }
0x65: {  	[sflag:s19] =	ssyncset.done $0x0  }
0x66: {  	s8 =	sadd.s32 @!p0 $0x480, s7;
	s10 =	simm.s32 @!p0 $0x8400;
	[sflag:s19] =	ssyncadd.s32 $0xFFFFE000  }
0x67: {  	[tilespmem:s10], [sflag:$0x2] =	stream.indirect.gather @!p0 [hbm4b:s4+s9], $0x40, s8, s9, $0xb8;
	[tilespmem:$0x16400] =	vst v63  }
0x68: {  	_ =	swait.ge [sflag:s21], $0x2000  }
0x69: {  	[sflag:s21] =	ssyncset.done $0x0  }
0x6a: {  	s10 =	sadd.s32 s17, s12;
	[sflag:s21] =	ssyncadd.s32 $0xFFFFE000  }
0x6b: {  	[hbm4b:s10+s3] =	stream.linear.scatter [tilespmem:s29], [sflag:$0xF], $0x2000, $0x38;
	[tilespmem:$0x16400] =	vst v63  }
0x6c: {  	_ =	swait.ge [sflag:s5], $0x2000  }
0x6d: {  	[sflag:s5] =	ssyncset.done $0x0  }
0x6e: {  	s7 =	sadd.s32 @!p0 $0x500, s7;
	s8 =	simm.s32 @!p0 $0xA400;
	[sflag:s5] =	ssyncadd.s32 $0xFFFFE000  }
0x6f: {  	[tilespmem:s8], [sflag:$0x3] =	stream.indirect.gather @!p0 [hbm4b:s4+s9], $0x40, s7, s9, $0xb8;
	[tilespmem:$0x16400] =	vst v63  }
0x70: {  	_ =	swait.ge [sflag:s6], $0x2000  }
0x71: {  	[sflag:s6] =	ssyncset.done $0x0  }
.Ltmp2:
0x72: {  	s10 =	sadd.s32 s17, s11;
	[sflag:s6] =	ssyncadd.s32 $0xFFFFE000;
	(pc) =	sbr.rel @p0 .LBB2_4-.Ltmp2, $4  }
0x73: {  	[hbm4b:s10+s3] =	stream.linear.scatter [tilespmem:s31], [sflag:$0x10], $0x2000, $0x38;
	[tilespmem:$0x16400] =	vst v63  }
0x74: {  	_ =	swait.ge [sflag:s15], $0x2000  }
0x75: {  	[sflag:s15] =	ssyncset.done $0x0  }
0x76: {  	[sflag:s15] =	ssyncadd.s32 $0xFFFFE000  }
.Ltmp3:
0x77: {  	(pc) =	sbr.rel .LBB2_2-.Ltmp3, $3  }
0x78: {  	_ =	sdelay $0x1  }
0x79: {  	s7 =	sadd.s32 $0x580, s20;
	s18 =	sadd.s32 $0x1000, s18;
	s17 =	sadd.s32 $0x2000, s17  }
0x7a: {  	[tilespmem:s22], [sflag:$0x4] =	stream.indirect.gather [hbm4b:s4+s16], $0x40, s7, s16, $0xb8;
	[tilespmem:$0x16400] =	vst v63  }
.LBB2_5:
0x7b: {  	_ =	sfence.sel $0x180000  }
0x7c: {  	[bflag:$0x0] =	sbarrier.arrive $0xFFFF  }
0x7d: {  	_ =	strace $0x90000047  }
0x7e: {  	s0 =	stileid.u32;
	[bflag:$0x2] =	sbarrier.arrive $0xFFFF  }
0x7f: {  	p0 =	sne.s32 s0, $0x0;
	s0 =	rddreg [dreg:$0x2]  }
0x80: {  	s0 =	sadd.s32 @!p0 $0x100000, s0  }
0x81: {  	[sflag:s0] =	ssyncadd.tile.s32 @!p0 $0x1;
	_ =	shalt  }
.Lfunc_end2:
_tile_overlayer_lowered:
.L_overlay_start_2:
0x82: {  	(tag) =	ssettag $0x2  }
0x83: {  	s0 =	rddreg [dreg:$0x0];
	s2 =	stileid.u32  }
0x84: {  	s1 =	rddreg [dreg:$0x1];
	p0 =	sne.s32 s2, $0x0  }
0x85: {  	s3 =	rddreg [dreg:$0x2];
	[bflag:$0x3] =	sbarrier.arrive $0xFFFF;
	s2 =	simm.s32 @!p0 $0x1C11  }
0x86: {  	[timem:s3], [sflag:s2] =	dma.local @!p0 [hbm:s0], s1  }
0x87: {  	s0 =	simm.s32 @!p0 $0x11  }
0x88: {  	_ =	swait.ge @!p0 [sflag:s0], s1  }
0x89: {  	s1 =	ssub.s32 @!p0 $0x0, s1;
	[sflag:s0] =	ssyncset.done @!p0 $0x0  }
0x8a: {  	[sflag:s0] =	ssyncadd.s32 @!p0 s1  }
0x8b: {  	[bflag:$0x3] =	sbarrier.arrive $0xFFFF  }
0x8c: {  	_ =	shalt  }

// kernel: sparse-core-data-format-call.cloned.1.call-start
scs
called_computation_lowered:
.L_overlay_start_0:
0x0: {  	s2 =	sld [smem:$0x3FD9]  }
0x1: {  	s3 =	sld [smem:$0x3FFE];
	_ =	sdelay $0x1  }
0x2: {  	s1 =	srdreg.scid  }
0x3: {  	s0 =	sand.u32 $0x1, s1  }
0x4: {  	s18 =	sshll.u32 s0, $0xA;
	s2 =	sadd.s32 s3, s2  }
0x5: {  	s2 =	sadd.s32 s2, s18  }
0x6: {  	[smem:$0x3FC6] =	sst s2  }
0x7: {  	_ = 	snop  }
0x8: {  	s2 =	sld [smem:$0x3FD0];
	(tm) =	ssettm $0x1  }
0x9: {  	s19 =	sld [smem:$0x3FFB];
	_ =	sdelay $0x3  }
0xa: {  	_ =	strace s19  }
0xb: {  	s3 =	sld [smem:$0x3FFC];
	_ =	sdelay $0x3  }
0xc: {  	_ =	strace s3  }
0xd: {  	s3 =	sld [smem:$0x3FFD];
	_ =	sdelay $0x3  }
0xe: {  	_ =	strace s3  }
0xf: {  	_ =	strace $0x8FFFFFFF  }
0x10: {  	s20 =	sld [smem:$0x3FDB];
	_ =	sdelay $0x1  }
0x11: {  	s4 =	simm.s32 $_scs_section_size  }
0x12: {  	s5 =	simm.s32 $_size__tile_overlayer_lowered;
	s6 =	simm.s32 $_tile_overlayer_lowered  }
0x13: {  	s23 =	simm.s32 $0x1BFF;
	s22 =	sshll.u32 s6, $0x1;
	s3 =	sadd.s32 s4, s20  }
0x14: {  	s7 =	simm.s32 $0x0;
	s21 =	sshll.u32 s5, $0x1;
	s5 =	sadd.s32 s22, s3  }
0x15: {  	[timem:s7], [sflag:s23] =	dma.local [hbm:s5], s21  }
0x16: {  	_ =	swait.ge [sflag:s23], s21  }
0x17: {  	s4 =	ssub.s32 $0x0, s21;
	[sflag:s23] =	ssyncset.done $0x0  }
0x18: {  	[sflag:s23] =	ssyncadd.s32 s4;
	_ =	sdelay $0x1  }
0x19: {  	s24 =	simm.s32 $0x1B8B  }
0x1a: {  	_ =	swait.ge [sflag:s24], $0x1  }
0x1b: {  	[sflag:s24] =	ssyncset.done $0x0  }
0x1c: {  	s26 =	simm.s32 $0x1B8E;
	s25 =	sld [smem:$0x3FFE];
	[sflag:s24] =	ssyncadd.s32 $0xFFFFFFFF  }
0x1d: {  	s27 =	simm.s32 $execute0_lowered;
	[smem:$0x3FD2] =	sst s26  }
0x1e: {  	s5 =	sshll.u32 s27, $0x1;
	_ =	strace $0x80000049;
	[dreg:$0x1] =	wrdreg $0xFFFFFFFF  }
0x1f: {  	s28 =	simm.s32 $_size_execute0_lowered;
	s3 =	sadd.s32 s3, s5;
	[dreg:$0x0] =	wrdreg $0x0  }
0x20: {  	s5 =	sshll.u32 s28, $0x1;
	[dreg:$0x2] =	wrdreg s3  }
0x21: {  	[dreg:$0x3] =	wrdreg s5  }
0x22: {  	[dreg:$0x4] =	wrdreg $0xC0  }
0x23: {  	_ =	task [dreg:s7], $0x5FFFF  }
0x24: {  	[dreg:$0x1] =	wrdreg $0xFFFFFFFF  }
0x25: {  	[dreg:$0x0] =	wrdreg $0x60  }
0x26: {  	[dreg:$0x2] =	wrdreg s25  }
0x27: {  	[dreg:$0x3] =	wrdreg s2  }
0x28: {  	[dreg:$0x4] =	wrdreg $0x9  }
0x29: {  	_ =	task.clear_ibuf [dreg:s7], $0x5FFFF;
	_ =	strace $0x90000049  }
0x2a: {  	s29 =	simm.s32 $0x9;
	_ =	strace $0x8000004B  }
0x2b: {  	_ =	swait.ge [sflag:s29], $0x1  }
0x2c: {  	[sflag:s29] =	ssyncadd.s32 $0xFFFFFFFF  }
0x2d: {  	_ =	strace $0x9000004B  }
0x2e: {  	_ =	sfence  }
0x2f: {  	s30 =	sld [smem:$0x0];
	_ =	sdelay $0x2  }
0x30: {  	s31 =	sshll.u32 s1, $0xD;
	s1 =	sshrl.u32 s1, $0x2  }
0x31: {  	s3 =	sand.u32 $0x4000, s31;
	s1 =	sadd.s32 s1, s30  }
0x32: {  	s0 =	sor.u32 s3, s0;
	s1 =	sshll.u32 s1, $0x11  }
0x33: {  	s0 =	sor.u32 s1, s0  }
0x34: {  	s0 =	sadd.s32 $0x8F2B, s0  }
0x35: {  	[sflag:s0] =	ssyncadd.remote.s32 $0x1  }
0x36: {  	_ =	sfence.sel $0xFFFF  }
0x37: {  	[dreg:$0x0] =	wrdreg $0xFFFFFFFF;
	(pc) =	sbr.abs _section_cstart, $3  }
0x38: {  	[dreg:$0x1] =	wrdreg $0xFFFFFFFF  }
0x39: {  	_ =	task.clear_ibuf [dreg:s7], $0x2FFFF;
	_ =	strace $0x9FFFFFFF  }
0x3a: {  	(tm) =	ssettm $0x7FFFFFFF  }
0x3b: {  	_ =	shalt  }
tec
execute0_lowered:
.L_overlay_start_1:
0x0: {  	(tag) =	ssettag $0x1  }
0x1: {  	s0 =	srdreg.scid  }
0x2: {  	s1 =	sshll.u32 s0, $0x4  }
0x3: {  	s0 =	stileid.u32;
	s1 =	sand.u32 $0x10, s1  }
0x4: {  	s1 =	sor.u32 s0, s1  }
0x5: {  	s6 =	rddreg [dreg:$0x0];
	s4 =	simm.s32 $0x1;
	s2 =	sshll.u32 s1, $0x7  }
0x6: {  	s7 =	simm.s32 $0x2;
	s12 =	simm.s32 $0x0;
	s1 =	ssub.s32 $0x1000, s2  }
0x7: {  	s8 =	simm.s32 $0x8000;
	s13 =	simm.s32 $0x0;
	s3 =	sand.u32 $0xF80, s1  }
0x8: {  	s9 =	simm.s32 $0x0;
	s5 =	sshrl.u32 s1, $0xC;
	p0 =	sne.s32 s3, $0x0  }
.Ltmp0:
0x9: {  	s1 =	rddreg [dreg:$0x2];
	s4 =	simm.s32 @!p0 $0x0;
	(pc) =	sbr.rel .LBB1_1-.Ltmp0, $4  }
0xa: {  	s11 =	simm.s32 $0x0;
	s3 =	rddreg [dreg:$0x1];
	s5 =	sadd.s32 s4, s5  }
0xb: {  	_ =	strace $0x8000004A;
	s4 =	simm.s32 $0x1;
	s5 =	smul.u32 $0xC8, s5  }
0xc: {  	s6 =	sadd.s32 $0xA00, s6;
	s10 =	smov.u32 s2;
	[sflag:s4] =	ssyncpa.u1 $0x0  }
0xd: {  	p0 =	por $0x0, $0x0;
	[sflag:s7] =	ssyncpa.u1 $0x0;
	s7 =	sor.u32 $0x1, s5  }
.LBB1_4:
0xe: {  	s16 =	sshll.u32 s13, $0x3;
	s17 =	sand.u32 $0x78, s13  }
0xf: {  	s30 =	sand.u32 $0x7E00, s13;
	s12 =	sshll.u32 s12, $0xF;
	s16 =	sand.u32 $0xC00, s16  }
0x10: {  	[tilespmem:s15+$0x810 ss:$0x81] =	vst.msk $0xffff, v2;
	s31 =	sand.u32 $0x7, s13;
	s16 =	sor.u32 s17, s16;
	s17 =	sadd.s32 s3, s30  }
0x11: {  	[tilespmem:s15+$0x1020 ss:$0x81] =	vst.msk $0xffff, v0;
	s13 =	sshll.u32 s31, $0x12;
	s12 =	sadd.s32 s12, s17;
	s16 =	sshrl.u32 s16, $0x3  }
0x12: {  	[tilespmem:s15+$0x0 ss:$0x81] =	vst.msk $0xffff, v1;
	s13 =	sor.u32 $0x400, s13;
	s12 =	sadd.s32 s16, s12  }
0x13: {  	[hbm4b:s12+s13] =	stream.strided.scatter [tilespmem:s14], [sflag:$0x2], $0x2000, s8, s13, $0x20;
	[tilespmem:$0x8080] =	vst v63  }
.LBB1_5:
0x14: {  	s14 =	sadd.s32 $0x1, s9  }
0x15: {  	s12 =	sadd.s32 $0x1000, s10;
	s16 =	smov.u32 s10;
	p2 =	sgt.s32 s14, $0xC7  }
0x16: {  	s16 =	smov.u32 @p2 s12  }
0x17: {  	s14 =	simm.s32 @p2 $0x0;
	p2 =	sgt.s32 s16, $0xFFF  }
0x18: {  	s16 =	smov.u32 @p2 s2;
	p2 =	sne.s32 s11, s7  }
.Ltmp1:
0x19: {  	p1 =	slt.u32 s11, $0x2;
	(pc) =	sbr.rel @!p2 .LBB1_6-.Ltmp1, $4  }
0x1a: {  	s15 =	simm.s32 @!p1 $0x2  }
0x1b: {  	s13 =	smov.u32 s10;
	p0 =	por !p0, !p0;
	_ =	swait.ge @!p1 [sflag:s15], $0x2000  }
0x1c: {  	s12 =	smov.u32 s9;
	[sflag:s15] =	ssyncset.done @!p1 $0x0;
	s9 =	smov.u32 s14  }
0x1d: {  	s11 =	sadd.s32 $0x1, s11;
	[sflag:s15] =	ssyncadd.s32 @!p1 $0xFFFFE000;
	s10 =	smov.u32 s16  }
.LBB1_1:
0x1e: {  	p1 =	sge.u32 s11, s5  }
0x1f: {  	s14 =	sand.u32 @!p1 $0x1FFFFFF, s9  }
0x20: {  	s15 =	smulhi.u32 @!p1 $0x147AE15, s14;
	_ =	sdelay $0x1  }
0x21: {  	s15 =	smul.u32 @!p1 $0xC8, s15  }
0x22: {  	s16 =	sxor.u32 @!p1 $0xFFFFFFFF, s11;
	s17 =	smul.u32 @!p1 $0xC80, s10  }
0x23: {  	s31 =	sadd.s32 $0xFFFFFFFF, s11;
	s16 =	sshll.u32 @!p1 s16, $0xD;
	s14 =	ssub.s32 @!p1 s14, s15  }
0x24: {  	s15 =	sand.u32 @!p1 $0x2000, s16;
	s16 =	sadd.s32 @!p1 s6, s17;
	s14 =	sshll.u32 @!p1 s14, $0x4  }
0x25: {  	s17 =	simm.s32 @!p1 $0x6400;
	s14 =	sadd.s32 @!p1 s14, s16;
	s16 =	simm.s32 @!p1 $0x40  }
0x26: {  	[tilespmem:s15], [sflag:$0x1] =	stream.strided.gather @!p1 [hbm4b:s14+s16], $0x2000, s17, s16, $0x38;
	[tilespmem:$0x8080] =	vst v63  }
0x27: {  	p1 =	sge.u32 s31, s5  }
.Ltmp2:
0x28: {  	_ = 	snop;
	(pc) =	sbr.rel @p1 .LBB1_5-.Ltmp2, $1  }
0x29: {  	_ =	sdelay $0x3  }
0x2a: {  	s14 =	simm.s32 $0x1  }
0x2b: {  	_ =	swait.ge [sflag:s4], $0x2000;
	s14 =	simm.s32 @!p0 $0x0  }
0x2c: {  	[sflag:s4] =	ssyncset.done $0x0;
	s15 =	sshll.u32 s14, $0xD  }
0x2d: {  	[sflag:s4] =	ssyncadd.s32 $0xFFFFE000;
	s18 =	sor.u32 $0x20, s15  }
0x2e: {  	s14 =	smul.u32 $0x8100, s14;
	v3 =	vld [tilespmem:s18+$0x10]  }
0x2f: {  	s30 =	sand.u32 $0x1, s11;
	v2 =	vld [tilespmem:s18+$0xFFFFFFF0]  }
0x30: {  	s15 =	smul.u32 $0x8100, s30;
	s14 =	sshrl.u32 s14, $0x2;
	v0 =	vld [tilespmem:s18+$0x0]  }
0x31: {  	v1 =	vld [tilespmem:s18+$0xFFFFFFE0];
	s16 =	sor.u32 $0x4000, s14  }
0x32: {  	s31 =	sshrl.u32 s15, $0x2;
	s15 =	sadd.s32 $0x0, s16  }
0x33: {  	s17 =	simm.s32 $0x4;
	s18 =	sadd.s32 $0x40, s18;
	s14 =	sor.u32 $0x4000, s31;
	[tilespmem:s15+$0x1830 ss:$0x81] =	vst.msk $0xffff, v3  }
.LBB1_3:
0x34: {  	v3 =	vld [tilespmem:s18+$0x10];
	p1 =	sne.s32 s17, $0x1FC;
	[tilespmem:s15+$0x810 ss:$0x81] =	vst.msk $0xffff, v2;
	s19 =	smov.u32 s17;
	s17 =	sadd.s32 $0x4, s17  }
.Ltmp3:
0x35: {  	v2 =	vld [tilespmem:s18+$0xFFFFFFF0];
	[tilespmem:s15+$0x1020 ss:$0x81] =	vst.msk $0xffff, v0;
	(pc) =	sbr.rel @p1 .LBB1_3-.Ltmp3, $4  }
0x36: {  	v0 =	vld [tilespmem:s18+$0x0];
	[tilespmem:s15+$0x0 ss:$0x81] =	vst.msk $0xffff, v1  }
0x37: {  	s15 =	sshra.s32 s19, $0x2;
	v1 =	vld [tilespmem:s18+$0xFFFFFFE0]  }
0x38: {  	s15 =	sadd.s32 s15, s16  }
0x39: {  	s18 =	sadd.s32 $0x40, s18;
	[tilespmem:s15+$0x1830 ss:$0x81] =	vst.msk $0xffff, v3  }
.Ltmp4:
0x3a: {  	_ = 	snop;
	(pc) =	sbr.rel .LBB1_4-.Ltmp4, $1  }
0x3b: {  	_ =	sdelay $0x3  }
.LBB1_6:
0x3c: {  	_ =	sfence.sel $0x180000  }
0x3d: {  	s2 =	simm.s32 $0x1;
	[bflag:$0x0] =	sbarrier.arrive $0xFFFF  }
0x3e: {  	s31 =	simm.s32 $0x2;
	[sflag:s2] =	ssyncpa.u1 $0x1  }
0x3f: {  	[sflag:s31] =	ssyncpa.u1 $0x1  }
0x40: {  	p0 =	sne.s32 s0, $0x0;
	_ =	strace $0x9000004A  }
0x41: {  	s0 =	sadd.s32 @!p0 $0x100000, s1;
	[bflag:$0x2] =	sbarrier.arrive $0xFFFF  }
0x42: {  	[sflag:s0] =	ssyncadd.tile.s32 @!p0 $0x1;
	_ =	shalt  }
.Lfunc_end1:
_tile_overlayer_lowered:
.L_overlay_start_2:
0x43: {  	(tag) =	ssettag $0x2  }
0x44: {  	s0 =	rddreg [dreg:$0x0];
	s2 =	stileid.u32  }
0x45: {  	s1 =	rddreg [dreg:$0x1];
	p0 =	sne.s32 s2, $0x0  }
0x46: {  	s3 =	rddreg [dreg:$0x2];
	[bflag:$0x3] =	sbarrier.arrive $0xFFFF;
	s2 =	simm.s32 @!p0 $0x1C01  }
0x47: {  	[timem:s3], [sflag:s2] =	dma.local @!p0 [hbm:s0], s1  }
0x48: {  	s0 =	simm.s32 @!p0 $0x1  }
0x49: {  	_ =	swait.ge @!p0 [sflag:s0], s1  }
0x4a: {  	s1 =	ssub.s32 @!p0 $0x0, s1;
	[sflag:s0] =	ssyncset.done @!p0 $0x0  }
0x4b: {  	[sflag:s0] =	ssyncadd.s32 @!p0 s1  }
0x4c: {  	[bflag:$0x3] =	sbarrier.arrive $0xFFFF  }
0x4d: {  	_ =	shalt  }

</sc_bundles>
